<compile_context>
chip_gen: v7x
topology: tpu7x:2x2x1
jax: 0.10.2.dev20260603
libtpu: 0.0.44.dev20260713+nightly
codegen_flags: <defaults>
</compile_context>

<pallas_src>
import functools

import jax
import jax.numpy as jnp
from jax import lax
from jax.experimental import pallas as pl
from jax.experimental.pallas import tpu as pltpu
from jax.experimental.pallas import tpu_sc as plsc

_B, _N, _D, _K = 4, 4096, 2048, 512
_TM = 1024


def _u_to_f32(u):
    fb = jnp.where(u < 0, jnp.bitwise_xor(u, jnp.int32(-2147483648)), jnp.bitwise_not(u))
    return lax.bitcast_convert_type(fb, jnp.float32)


def _iprefix(m):
    lane = lax.broadcasted_iota(jnp.int32, (_B, _N), 1)
    p = m
    sh = 1
    while sh < _N:
        p = p + jnp.where(lane >= sh, pltpu.roll(p, sh, axis=1), 0.0)
        sh *= 2
    return p


def _select_compute(s, mall, d, idx_ref, gidx_ref, mv_ref):
    s = jnp.maximum(s, jnp.finfo(jnp.float32).min)
    kf = jnp.float32(_K)

    def step(i, cur):
        bit = jnp.left_shift(jnp.int32(1), jnp.int32(31) - i)
        cand = jnp.bitwise_or(cur, bit)
        tc = _u_to_f32(cand)
        cnt = jnp.sum((s >= tc).astype(jnp.float32), axis=1, keepdims=True)
        return jnp.where(cnt >= kf, cand, cur)

    u = lax.fori_loop(0, 32, step, jnp.zeros((_B, 1), jnp.int32))
    t = _u_to_f32(u)

    m_gt = (s > t).astype(jnp.float32)
    m_eq = (s == t).astype(jnp.float32)
    need = kf - jnp.sum(m_gt, axis=1, keepdims=True)
    p_gt = _iprefix(m_gt)
    p_eq = _iprefix(m_eq)
    sel = m_gt + m_eq * (p_eq <= need).astype(jnp.float32)
    r = p_gt + jnp.minimum(p_eq, need)

    nh = _N // 4
    jcol = lax.broadcasted_iota(jnp.int32, (_K, 1), 0).astype(jnp.float32) + 1.0
    irow = lax.broadcasted_iota(jnp.int32, (1, nh), 1).astype(jnp.float32)
    for b in range(_B):
        acc_i = jnp.zeros((_K, 1), jnp.float32)
        acc_m = jnp.zeros((_K, 1), jnp.float32)
        for p in range(4):
            lo = p * nh
            onehot = jnp.where(
                (jcol == r[b : b + 1, lo : lo + nh])
                & (sel[b : b + 1, lo : lo + nh] > 0.5),
                1.0,
                0.0,
            )
            acc_i = acc_i + jnp.sum(
                onehot * (irow + jnp.float32(lo)), axis=1, keepdims=True
            )
            acc_m = acc_m + jnp.sum(
                onehot * mall[b : b + 1, lo : lo + nh], axis=1, keepdims=True
            )
        rowf = lax.transpose(acc_i, (1, 0))
        rowm = lax.transpose(acc_m, (1, 0))
        ii = rowf.astype(jnp.int32) + d
        idx_ref[b : b + 1, :] = ii
        gidx_ref[b : b + 1, :] = ii + jnp.int32(b * _N)
        mv_ref[b : b + 1, :] = rowm


def _fused_body(
    x_ref, m2_ref, w1_ref, b1_ref, w2_ref, b2_ref, d_ref,
    idx_ref, gidx_ref, mv_ref, sc_ref,
):
    i = pl.program_id(0)
    h = jnp.dot(x_ref[...], w1_ref[...], preferred_element_type=jnp.float32)
    h = jnp.maximum(h + b1_ref[...], 0.0).astype(jnp.bfloat16)
    s_row = lax.dot_general(
        w2_ref[...].astype(jnp.bfloat16), h, (((0,), (1,)), ((), ())),
        preferred_element_type=jnp.float32,
    )
    b = i // (_N // _TM)
    c = lax.rem(i, _N // _TM)
    mrow = m2_ref[pl.ds(b, 1), pl.ds(c * _TM, _TM)]
    sc_ref[pl.ds(b, 1), pl.ds(c * _TM, _TM)] = s_row + b2_ref[...] + jnp.log(mrow)

    @pl.when(i == pl.num_programs(0) - 1)
    def _():
        _select_compute(
            sc_ref[...], m2_ref[...], d_ref[0, 0], idx_ref, gidx_ref, mv_ref
        )


def _score_select(x, m2, W1, b1row, W2, b2sq, darr):
    bn = x.shape[0]
    return pl.pallas_call(
        _fused_body,
        grid=(bn // _TM,),
        in_specs=[
            pl.BlockSpec((_TM, _D), lambda i: (i, 0)),
            pl.BlockSpec((_B, _N), lambda i: (0, 0)),
            pl.BlockSpec((_D, _D), lambda i: (0, 0)),
            pl.BlockSpec((1, _D), lambda i: (0, 0)),
            pl.BlockSpec((_D, 1), lambda i: (0, 0)),
            pl.BlockSpec((1, 1), lambda i: (0, 0)),
            pl.BlockSpec(memory_space=pltpu.SMEM),
        ],
        out_specs=(
            pl.BlockSpec((_B, _K), lambda i: (0, 0)),
            pl.BlockSpec((_B, _K), lambda i: (0, 0)),
            pl.BlockSpec((_B, _K), lambda i: (0, 0)),
        ),
        out_shape=(
            jax.ShapeDtypeStruct((_B, _K), jnp.int32),
            jax.ShapeDtypeStruct((_B, _K), jnp.int32),
            jax.ShapeDtypeStruct((_B, _K), jnp.float32),
        ),
        scratch_shapes=[pltpu.VMEM((_B, _N), jnp.float32)],
    )(x, m2, W1, b1row, W2, b2sq, darr)


def _sc_gather(table, gidx):
    info = plsc.get_sparse_core_info()
    nw = info.num_cores * info.num_subcores
    bk = gidx.shape[0]
    bpw = bk // nw
    ch = 16
    nch = bpw // ch
    mesh = plsc.VectorSubcoreMesh(core_axis_name="c", subcore_axis_name="s")

    @functools.partial(
        pl.kernel,
        out_type=jax.ShapeDtypeStruct((bk, _D), jnp.float32),
        mesh=mesh,
        scratch_types=[
            pltpu.VMEM((bpw,), jnp.int32),
            pltpu.VMEM((ch, _D), jnp.float32),
            pltpu.VMEM((ch, _D), jnp.float32),
            pltpu.SemaphoreType.DMA,
            pltpu.SemaphoreType.DMA,
        ],
    )
    def k(table_hbm, idx_hbm, out_hbm, idx_v, bufa, bufb, sema, semb):
        wid = lax.axis_index("s") * info.num_cores + lax.axis_index("c")
        base = wid * bpw
        pltpu.sync_copy(idx_hbm.at[pl.ds(base, bpw)], idx_v)
        bufs = (bufa, bufb)
        sems = (sema, semb)
        copies = [
            pltpu.async_copy(
                table_hbm.at[idx_v.at[pl.ds(c * ch, ch)]], bufs[c % 2], sems[c % 2]
            )
            if c < 2
            else None
            for c in range(nch)
        ]
        for c in range(nch):
            copies[c].wait()
            pltpu.sync_copy(bufs[c % 2], out_hbm.at[pl.ds(base + c * ch, ch)])
            if c + 2 < nch:
                copies[c + 2] = pltpu.async_copy(
                    table_hbm.at[idx_v.at[pl.ds((c + 2) * ch, ch)]],
                    bufs[c % 2],
                    sems[c % 2],
                )

    return k(table, gidx)


def kernel(span_embeddings, span_mask, threshold, spans_to_keep, W1, b1, W2, b2):
    del threshold
    x = span_embeddings.reshape(_B * _N, _D)
    darr = (jnp.zeros((1, 1), jnp.int32) + (spans_to_keep - _K)).astype(jnp.int32)
    idx, gidx, mv = _score_select(
        x,
        span_mask.reshape(_B, _N),
        W1,
        b1.reshape(1, _D),
        W2,
        b2.reshape(1, 1),
        darr,
    )
    emb = _sc_gather(x, gidx.reshape(_B * _K)).reshape(_B, _K, _D)
    return (emb, mv.reshape(_B, _K, 1), idx)

# --- scband reference (transcript-rebuilt; emitter-appended) ---
"""Pipeline reference for scband-span-pruner-64046552318109 (READ-ONLY COPY).

The authoritative reference and input builder live on the scoring server;
editing this copy changes nothing except your own understanding.
"""

import jax, jax.numpy as jnp
import numpy as np

B, N, D = 4, 4096, 2048
K = 512


def setup_inputs(seed: int = 0) -> dict:
    key = jax.random.key(seed)
    k1, k2, k3 = jax.random.split(key, 3)
    span_embeddings = jax.random.normal(k1, (B, N, D), dtype=jnp.float32)
    span_mask = jnp.ones((B, N, 1), dtype=jnp.float32)
    # scorer parameters: MLP D -> D -> 1
    W1 = jax.random.normal(k2, (D, D), dtype=jnp.float32) / np.sqrt(D)
    b1 = jnp.zeros((D,), dtype=jnp.float32)
    W2 = jax.random.normal(k3, (D, 1), dtype=jnp.float32) / np.sqrt(D)
    b2 = jnp.zeros((1,), dtype=jnp.float32)
    return {
        "span_embeddings": span_embeddings,
        "span_mask": span_mask,
        "threshold": 0.0,
        "spans_to_keep": K,
        "W1": W1,
        "b1": b1,
        "W2": W2,
        "b2": b2,
    }


def reference(span_embeddings, span_mask, threshold, spans_to_keep, W1, b1, W2, b2):
    # scorer: 2-layer MLP producing (B, N, 1) mention scores
    h = jnp.maximum(span_embeddings @ W1 + b1, 0.0)
    mention_scores = h @ W2 + b2  # (B, N, 1)
    # mention_scores += span_mask.log()
    mention_scores = mention_scores + jnp.log(span_mask)
    scores = jnp.squeeze(mention_scores, axis=-1)  # (B, N)
    # top-k over num_spans dimension
    _, top_span_indices = jax.lax.top_k(scores, K)  # (B, K)
    top_span_indices = top_span_indices + (spans_to_keep - K)
    # restore original ordering
    top_span_indices = jnp.sort(top_span_indices, axis=1)
    # batched_index_select
    top_span_embeddings = jnp.take_along_axis(
        span_embeddings, top_span_indices[:, :, None], axis=1
    )  # (B, K, D)
    top_span_mask = jnp.take_along_axis(
        span_mask, top_span_indices[:, :, None], axis=1
    )  # (B, K, 1)
    return (top_span_embeddings, top_span_mask, top_span_indices)

if __name__ == "__main__":
    import jax
    _d = setup_inputs()
    print(jax.jit(kernel)(*tuple(_d.values())))

</pallas_src>

<mosaic_0001>
#map = affine_map<(d0, d1) -> (0, 0)>
#map1 = affine_map<(d0, d1) -> (0)>
module attributes {stable_mosaic.version = 14 : i64} {
  func.func @k(%arg0: i32, %arg1: i32, %arg2: memref<16384x2048xf32, #tpu.memory_space<hbm>>, %arg3: memref<2048xi32, #tpu.memory_space<hbm>>, %arg4: memref<2048x2048xf32, #tpu.memory_space<hbm>>, %arg5: memref<64xi32, #tpu.memory_space<vmem>>, %arg6: memref<16x2048xf32, #tpu.memory_space<vmem>>, %arg7: memref<16x2048xf32, #tpu.memory_space<vmem>>, %arg8: memref<!tpu.dma_semaphore, #tpu.memory_space<semaphore_mem>>, %arg9: memref<!tpu.dma_semaphore, #tpu.memory_space<semaphore_mem>>) attributes {dimension_semantics = [#tpu.dimension_semantics<core_parallel>, #tpu.dimension_semantics<subcore_parallel>], iteration_bounds = array<i64: 2, 16>, scalar_prefetch = 0 : i64, scratch_operands = 5 : i64, tpu.core_type = #tpu.core_type<sc_vector_subcore>, window_params = [{transform_indices = #map}, {transform_indices = #map1}, {transform_indices = #map}]} {
    %mul3A = arith.constant 2 : i32
    %mul3A_0 = arith.muli %arg1, %mul3A : i32
    %add3A = arith.addi %mul3A_0, %arg0 : i32
    %mul3A_1 = arith.constant 64 : i32
    %mul3A_2 = arith.muli %add3A, %mul3A_1 : i32
    "tpu.region"() ({
      %run_scoped3A = tpu.sem_alloc : memref<!tpu.dma_semaphore, #tpu.memory_space<semaphore_mem>>
      %dma_start3A_49 = tpu.memref_slice %arg3[%mul3A_2] : memref<2048xi32, #tpu.memory_space<hbm>> -> memref<64xi32, #tpu.memory_space<hbm>>
      %dma_start3A_50 = tpu.memref_slice %arg3[%mul3A_2] : memref<2048xi32, #tpu.memory_space<hbm>> -> memref<64xi32, #tpu.memory_space<hbm>>
      tpu.enqueue_dma source(%dma_start3A_50 : memref<64xi32, #tpu.memory_space<hbm>>) target(%arg5 : memref<64xi32, #tpu.memory_space<vmem>>) target_semaphore(%run_scoped3A : memref<!tpu.dma_semaphore, #tpu.memory_space<semaphore_mem>>)
      %dma_wait3A_51 = tpu.memref_slice %arg3[%mul3A_2] : memref<2048xi32, #tpu.memory_space<hbm>> -> memref<64xi32, #tpu.memory_space<hbm>>
      %dma_wait3A_52 = tpu.memref_slice %arg3[%mul3A_2] : memref<2048xi32, #tpu.memory_space<hbm>> -> memref<64xi32, #tpu.memory_space<hbm>>
      tpu.wait_dma2 semaphore(%run_scoped3A : memref<!tpu.dma_semaphore, #tpu.memory_space<semaphore_mem>>) src(%dma_wait3A_52 : memref<64xi32, #tpu.memory_space<hbm>>) dst(%arg5 : memref<64xi32, #tpu.memory_space<vmem>>)
      tpu.yield
    }) : () -> ()
    %dma_start3A = arith.constant 0 : i32
    %dma_start3A_3 = tpu.memref_slice %arg5[%dma_start3A] : memref<64xi32, #tpu.memory_space<vmem>> -> memref<16xi32, #tpu.memory_space<vmem>>
    %dma_start3A_4 = arith.constant 0 : i32
    %dma_start3A_5 = arith.constant 0 : i32
    %dma_start3A_6 = tpu.memref_slice %arg2[%dma_start3A_4, %dma_start3A_5] : memref<16384x2048xf32, #tpu.memory_space<hbm>> -> memref<16384x2048xf32, #tpu.memory_space<hbm>>
    tpu.enqueue_indirect_dma source(%dma_start3A_6 : memref<16384x2048xf32, #tpu.memory_space<hbm>>) target(%arg6 : memref<16x2048xf32, #tpu.memory_space<vmem>>) offsets(%dma_start3A_3 : memref<16xi32, #tpu.memory_space<vmem>>) semaphore(%arg8 : memref<!tpu.dma_semaphore, #tpu.memory_space<semaphore_mem>>)
    %dma_start3A_7 = arith.constant 16 : i32
    %dma_start3A_8 = tpu.memref_slice %arg5[%dma_start3A_7] : memref<64xi32, #tpu.memory_space<vmem>> -> memref<16xi32, #tpu.memory_space<vmem>>
    %dma_start3A_9 = arith.constant 0 : i32
    %dma_start3A_10 = arith.constant 0 : i32
    %dma_start3A_11 = tpu.memref_slice %arg2[%dma_start3A_9, %dma_start3A_10] : memref<16384x2048xf32, #tpu.memory_space<hbm>> -> memref<16384x2048xf32, #tpu.memory_space<hbm>>
    tpu.enqueue_indirect_dma source(%dma_start3A_11 : memref<16384x2048xf32, #tpu.memory_space<hbm>>) target(%arg7 : memref<16x2048xf32, #tpu.memory_space<vmem>>) offsets(%dma_start3A_8 : memref<16xi32, #tpu.memory_space<vmem>>) semaphore(%arg9 : memref<!tpu.dma_semaphore, #tpu.memory_space<semaphore_mem>>)
    %dma_wait3A = arith.constant 0 : i32
    %dma_wait3A_12 = tpu.memref_slice %arg5[%dma_wait3A] : memref<64xi32, #tpu.memory_space<vmem>> -> memref<16xi32, #tpu.memory_space<vmem>>
    %dma_wait3A_13 = arith.constant 0 : i32
    %dma_wait3A_14 = arith.constant 0 : i32
    %dma_wait3A_15 = tpu.memref_slice %arg2[%dma_wait3A_13, %dma_wait3A_14] : memref<16384x2048xf32, #tpu.memory_space<hbm>> -> memref<16384x2048xf32, #tpu.memory_space<hbm>>
    tpu.wait_indirect_dma semaphore(%arg8 : memref<!tpu.dma_semaphore, #tpu.memory_space<semaphore_mem>>) src(%dma_wait3A_15 : memref<16384x2048xf32, #tpu.memory_space<hbm>>) dst(%arg6 : memref<16x2048xf32, #tpu.memory_space<vmem>>)
    %add3A_16 = arith.constant 0 : i32
    %add3A_17 = arith.addi %mul3A_2, %add3A_16 : i32
    "tpu.region"() ({
      %run_scoped3A = tpu.sem_alloc : memref<!tpu.dma_semaphore, #tpu.memory_space<semaphore_mem>>
      %dma_start3A_49 = arith.constant 0 : i32
      %dma_start3A_50 = tpu.memref_slice %arg4[%add3A_17, %dma_start3A_49] : memref<2048x2048xf32, #tpu.memory_space<hbm>> -> memref<16x2048xf32, #tpu.memory_space<hbm>>
      %dma_start3A_51 = arith.constant 0 : i32
      %dma_start3A_52 = tpu.memref_slice %arg4[%add3A_17, %dma_start3A_51] : memref<2048x2048xf32, #tpu.memory_space<hbm>> -> memref<16x2048xf32, #tpu.memory_space<hbm>>
      tpu.enqueue_dma source(%arg6 : memref<16x2048xf32, #tpu.memory_space<vmem>>) target(%dma_start3A_52 : memref<16x2048xf32, #tpu.memory_space<hbm>>) target_semaphore(%run_scoped3A : memref<!tpu.dma_semaphore, #tpu.memory_space<semaphore_mem>>)
      %dma_wait3A_53 = arith.constant 0 : i32
      %dma_wait3A_54 = tpu.memref_slice %arg4[%add3A_17, %dma_wait3A_53] : memref<2048x2048xf32, #tpu.memory_space<hbm>> -> memref<16x2048xf32, #tpu.memory_space<hbm>>
      %dma_wait3A_55 = arith.constant 0 : i32
      %dma_wait3A_56 = tpu.memref_slice %arg4[%add3A_17, %dma_wait3A_55] : memref<2048x2048xf32, #tpu.memory_space<hbm>> -> memref<16x2048xf32, #tpu.memory_space<hbm>>
      tpu.wait_dma2 semaphore(%run_scoped3A : memref<!tpu.dma_semaphore, #tpu.memory_space<semaphore_mem>>) src(%arg6 : memref<16x2048xf32, #tpu.memory_space<vmem>>) dst(%dma_wait3A_56 : memref<16x2048xf32, #tpu.memory_space<hbm>>)
      tpu.yield
    }) : () -> ()
    %dma_start3A_18 = arith.constant 32 : i32
    %dma_start3A_19 = tpu.memref_slice %arg5[%dma_start3A_18] : memref<64xi32, #tpu.memory_space<vmem>> -> memref<16xi32, #tpu.memory_space<vmem>>
    %dma_start3A_20 = arith.constant 0 : i32
    %dma_start3A_21 = arith.constant 0 : i32
    %dma_start3A_22 = tpu.memref_slice %arg2[%dma_start3A_20, %dma_start3A_21] : memref<16384x2048xf32, #tpu.memory_space<hbm>> -> memref<16384x2048xf32, #tpu.memory_space<hbm>>
    tpu.enqueue_indirect_dma source(%dma_start3A_22 : memref<16384x2048xf32, #tpu.memory_space<hbm>>) target(%arg6 : memref<16x2048xf32, #tpu.memory_space<vmem>>) offsets(%dma_start3A_19 : memref<16xi32, #tpu.memory_space<vmem>>) semaphore(%arg8 : memref<!tpu.dma_semaphore, #tpu.memory_space<semaphore_mem>>)
    %dma_wait3A_23 = arith.constant 16 : i32
    %dma_wait3A_24 = tpu.memref_slice %arg5[%dma_wait3A_23] : memref<64xi32, #tpu.memory_space<vmem>> -> memref<16xi32, #tpu.memory_space<vmem>>
    %dma_wait3A_25 = arith.constant 0 : i32
    %dma_wait3A_26 = arith.constant 0 : i32
    %dma_wait3A_27 = tpu.memref_slice %arg2[%dma_wait3A_25, %dma_wait3A_26] : memref<16384x2048xf32, #tpu.memory_space<hbm>> -> memref<16384x2048xf32, #tpu.memory_space<hbm>>
    tpu.wait_indirect_dma semaphore(%arg9 : memref<!tpu.dma_semaphore, #tpu.memory_space<semaphore_mem>>) src(%dma_wait3A_27 : memref<16384x2048xf32, #tpu.memory_space<hbm>>) dst(%arg7 : memref<16x2048xf32, #tpu.memory_space<vmem>>)
    %add3A_28 = arith.constant 16 : i32
    %add3A_29 = arith.addi %mul3A_2, %add3A_28 : i32
    "tpu.region"() ({
      %run_scoped3A = tpu.sem_alloc : memref<!tpu.dma_semaphore, #tpu.memory_space<semaphore_mem>>
      %dma_start3A_49 = arith.constant 0 : i32
      %dma_start3A_50 = tpu.memref_slice %arg4[%add3A_29, %dma_start3A_49] : memref<2048x2048xf32, #tpu.memory_space<hbm>> -> memref<16x2048xf32, #tpu.memory_space<hbm>>
      %dma_start3A_51 = arith.constant 0 : i32
      %dma_start3A_52 = tpu.memref_slice %arg4[%add3A_29, %dma_start3A_51] : memref<2048x2048xf32, #tpu.memory_space<hbm>> -> memref<16x2048xf32, #tpu.memory_space<hbm>>
      tpu.enqueue_dma source(%arg7 : memref<16x2048xf32, #tpu.memory_space<vmem>>) target(%dma_start3A_52 : memref<16x2048xf32, #tpu.memory_space<hbm>>) target_semaphore(%run_scoped3A : memref<!tpu.dma_semaphore, #tpu.memory_space<semaphore_mem>>)
      %dma_wait3A_53 = arith.constant 0 : i32
      %dma_wait3A_54 = tpu.memref_slice %arg4[%add3A_29, %dma_wait3A_53] : memref<2048x2048xf32, #tpu.memory_space<hbm>> -> memref<16x2048xf32, #tpu.memory_space<hbm>>
      %dma_wait3A_55 = arith.constant 0 : i32
      %dma_wait3A_56 = tpu.memref_slice %arg4[%add3A_29, %dma_wait3A_55] : memref<2048x2048xf32, #tpu.memory_space<hbm>> -> memref<16x2048xf32, #tpu.memory_space<hbm>>
      tpu.wait_dma2 semaphore(%run_scoped3A : memref<!tpu.dma_semaphore, #tpu.memory_space<semaphore_mem>>) src(%arg7 : memref<16x2048xf32, #tpu.memory_space<vmem>>) dst(%dma_wait3A_56 : memref<16x2048xf32, #tpu.memory_space<hbm>>)
      tpu.yield
    }) : () -> ()
    %dma_start3A_30 = arith.constant 48 : i32
    %dma_start3A_31 = tpu.memref_slice %arg5[%dma_start3A_30] : memref<64xi32, #tpu.memory_space<vmem>> -> memref<16xi32, #tpu.memory_space<vmem>>
    %dma_start3A_32 = arith.constant 0 : i32
    %dma_start3A_33 = arith.constant 0 : i32
    %dma_start3A_34 = tpu.memref_slice %arg2[%dma_start3A_32, %dma_start3A_33] : memref<16384x2048xf32, #tpu.memory_space<hbm>> -> memref<16384x2048xf32, #tpu.memory_space<hbm>>
    tpu.enqueue_indirect_dma source(%dma_start3A_34 : memref<16384x2048xf32, #tpu.memory_space<hbm>>) target(%arg7 : memref<16x2048xf32, #tpu.memory_space<vmem>>) offsets(%dma_start3A_31 : memref<16xi32, #tpu.memory_space<vmem>>) semaphore(%arg9 : memref<!tpu.dma_semaphore, #tpu.memory_space<semaphore_mem>>)
    %dma_wait3A_35 = arith.constant 32 : i32
    %dma_wait3A_36 = tpu.memref_slice %arg5[%dma_wait3A_35] : memref<64xi32, #tpu.memory_space<vmem>> -> memref<16xi32, #tpu.memory_space<vmem>>
    %dma_wait3A_37 = arith.constant 0 : i32
    %dma_wait3A_38 = arith.constant 0 : i32
    %dma_wait3A_39 = tpu.memref_slice %arg2[%dma_wait3A_37, %dma_wait3A_38] : memref<16384x2048xf32, #tpu.memory_space<hbm>> -> memref<16384x2048xf32, #tpu.memory_space<hbm>>
    tpu.wait_indirect_dma semaphore(%arg8 : memref<!tpu.dma_semaphore, #tpu.memory_space<semaphore_mem>>) src(%dma_wait3A_39 : memref<16384x2048xf32, #tpu.memory_space<hbm>>) dst(%arg6 : memref<16x2048xf32, #tpu.memory_space<vmem>>)
    %add3A_40 = arith.constant 32 : i32
    %add3A_41 = arith.addi %mul3A_2, %add3A_40 : i32
    "tpu.region"() ({
      %run_scoped3A = tpu.sem_alloc : memref<!tpu.dma_semaphore, #tpu.memory_space<semaphore_mem>>
      %dma_start3A_49 = arith.constant 0 : i32
      %dma_start3A_50 = tpu.memref_slice %arg4[%add3A_41, %dma_start3A_49] : memref<2048x2048xf32, #tpu.memory_space<hbm>> -> memref<16x2048xf32, #tpu.memory_space<hbm>>
      %dma_start3A_51 = arith.constant 0 : i32
      %dma_start3A_52 = tpu.memref_slice %arg4[%add3A_41, %dma_start3A_51] : memref<2048x2048xf32, #tpu.memory_space<hbm>> -> memref<16x2048xf32, #tpu.memory_space<hbm>>
      tpu.enqueue_dma source(%arg6 : memref<16x2048xf32, #tpu.memory_space<vmem>>) target(%dma_start3A_52 : memref<16x2048xf32, #tpu.memory_space<hbm>>) target_semaphore(%run_scoped3A : memref<!tpu.dma_semaphore, #tpu.memory_space<semaphore_mem>>)
      %dma_wait3A_53 = arith.constant 0 : i32
      %dma_wait3A_54 = tpu.memref_slice %arg4[%add3A_41, %dma_wait3A_53] : memref<2048x2048xf32, #tpu.memory_space<hbm>> -> memref<16x2048xf32, #tpu.memory_space<hbm>>
      %dma_wait3A_55 = arith.constant 0 : i32
      %dma_wait3A_56 = tpu.memref_slice %arg4[%add3A_41, %dma_wait3A_55] : memref<2048x2048xf32, #tpu.memory_space<hbm>> -> memref<16x2048xf32, #tpu.memory_space<hbm>>
      tpu.wait_dma2 semaphore(%run_scoped3A : memref<!tpu.dma_semaphore, #tpu.memory_space<semaphore_mem>>) src(%arg6 : memref<16x2048xf32, #tpu.memory_space<vmem>>) dst(%dma_wait3A_56 : memref<16x2048xf32, #tpu.memory_space<hbm>>)
      tpu.yield
    }) : () -> ()
    %dma_wait3A_42 = arith.constant 48 : i32
    %dma_wait3A_43 = tpu.memref_slice %arg5[%dma_wait3A_42] : memref<64xi32, #tpu.memory_space<vmem>> -> memref<16xi32, #tpu.memory_space<vmem>>
    %dma_wait3A_44 = arith.constant 0 : i32
    %dma_wait3A_45 = arith.constant 0 : i32
    %dma_wait3A_46 = tpu.memref_slice %arg2[%dma_wait3A_44, %dma_wait3A_45] : memref<16384x2048xf32, #tpu.memory_space<hbm>> -> memref<16384x2048xf32, #tpu.memory_space<hbm>>
    tpu.wait_indirect_dma semaphore(%arg9 : memref<!tpu.dma_semaphore, #tpu.memory_space<semaphore_mem>>) src(%dma_wait3A_46 : memref<16384x2048xf32, #tpu.memory_space<hbm>>) dst(%arg7 : memref<16x2048xf32, #tpu.memory_space<vmem>>)
    %add3A_47 = arith.constant 48 : i32
    %add3A_48 = arith.addi %mul3A_2, %add3A_47 : i32
    "tpu.region"() ({
      %run_scoped3A = tpu.sem_alloc : memref<!tpu.dma_semaphore, #tpu.memory_space<semaphore_mem>>
      %dma_start3A_49 = arith.constant 0 : i32
      %dma_start3A_50 = tpu.memref_slice %arg4[%add3A_48, %dma_start3A_49] : memref<2048x2048xf32, #tpu.memory_space<hbm>> -> memref<16x2048xf32, #tpu.memory_space<hbm>>
      %dma_start3A_51 = arith.constant 0 : i32
      %dma_start3A_52 = tpu.memref_slice %arg4[%add3A_48, %dma_start3A_51] : memref<2048x2048xf32, #tpu.memory_space<hbm>> -> memref<16x2048xf32, #tpu.memory_space<hbm>>
      tpu.enqueue_dma source(%arg7 : memref<16x2048xf32, #tpu.memory_space<vmem>>) target(%dma_start3A_52 : memref<16x2048xf32, #tpu.memory_space<hbm>>) target_semaphore(%run_scoped3A : memref<!tpu.dma_semaphore, #tpu.memory_space<semaphore_mem>>)
      %dma_wait3A_53 = arith.constant 0 : i32
      %dma_wait3A_54 = tpu.memref_slice %arg4[%add3A_48, %dma_wait3A_53] : memref<2048x2048xf32, #tpu.memory_space<hbm>> -> memref<16x2048xf32, #tpu.memory_space<hbm>>
      %dma_wait3A_55 = arith.constant 0 : i32
      %dma_wait3A_56 = tpu.memref_slice %arg4[%add3A_48, %dma_wait3A_55] : memref<2048x2048xf32, #tpu.memory_space<hbm>> -> memref<16x2048xf32, #tpu.memory_space<hbm>>
      tpu.wait_dma2 semaphore(%run_scoped3A : memref<!tpu.dma_semaphore, #tpu.memory_space<semaphore_mem>>) src(%arg7 : memref<16x2048xf32, #tpu.memory_space<vmem>>) dst(%dma_wait3A_56 : memref<16x2048xf32, #tpu.memory_space<hbm>>)
      tpu.yield
    }) : () -> ()
    return
  }
}

module attributes {stable_mosaic.version = 14 : i64} {
  func.func @_fused_body(%arg0: i32, %arg1: memref<1024x2048xf32, #tpu.memory_space<vmem>>, %arg2: memref<4x4096xf32, #tpu.memory_space<vmem>>, %arg3: memref<2048x2048xf32, #tpu.memory_space<vmem>>, %arg4: memref<1x2048xf32, #tpu.memory_space<vmem>>, %arg5: memref<2048x1xf32, #tpu.memory_space<vmem>>, %arg6: memref<1x1xf32, #tpu.memory_space<vmem>>, %arg7: memref<1x1xi32, #tpu.memory_space<smem>>, %arg8: memref<4x512xi32, #tpu.memory_space<vmem>>, %arg9: memref<4x512xi32, #tpu.memory_space<vmem>>, %arg10: memref<4x512xf32, #tpu.memory_space<vmem>>, %arg11: memref<4x4096xf32, #tpu.memory_space<vmem>>) attributes {dimension_semantics = [#tpu.dimension_semantics<arbitrary>], iteration_bounds = array<i64: 16>, scalar_prefetch = 0 : i64, scratch_operands = 1 : i64, tpu.core_type = #tpu.core_type<tc>, window_params = [{transform_indices = @transform_0, window_bounds = array<i64: 1024, 2048>}, {pipeline_mode = #tpu.pipeline_mode<synchronous>, transform_indices = @transform_1, window_bounds = array<i64: 4, 4096>}, {pipeline_mode = #tpu.pipeline_mode<synchronous>, transform_indices = @transform_2, window_bounds = array<i64: 2048, 2048>}, {pipeline_mode = #tpu.pipeline_mode<synchronous>, transform_indices = @transform_3, window_bounds = array<i64: 1, 2048>}, {pipeline_mode = #tpu.pipeline_mode<synchronous>, transform_indices = @transform_4, window_bounds = array<i64: 2048, 1>}, {pipeline_mode = #tpu.pipeline_mode<synchronous>, transform_indices = @transform_5, window_bounds = array<i64: 1, 1>}, {transform_indices = @transform_6, window_bounds = array<i64: 1, 1>}, {pipeline_mode = #tpu.pipeline_mode<synchronous>, transform_indices = @transform_7, window_bounds = array<i64: 4, 512>}, {pipeline_mode = #tpu.pipeline_mode<synchronous>, transform_indices = @transform_8, window_bounds = array<i64: 4, 512>}, {pipeline_mode = #tpu.pipeline_mode<synchronous>, transform_indices = @transform_9, window_bounds = array<i64: 4, 512>}]} {
    %get3A = arith.constant 0 : index
    %get3A_0 = arith.constant 0 : index
    %get3A_1 = vector.load %arg1[%get3A, %get3A_0] : memref<1024x2048xf32, #tpu.memory_space<vmem>>, vector<1024x2048xf32>
    %get3A_2 = arith.constant 0 : index
    %get3A_3 = arith.constant 0 : index
    %get3A_4 = vector.load %arg3[%get3A_2, %get3A_3] : memref<2048x2048xf32, #tpu.memory_space<vmem>>, vector<2048x2048xf32>
    %dot_general3A = arith.constant dense<0.000000e+00> : vector<1024x2048xf32>
    %dot_general3A_5 = tpu.matmul %get3A_1, %get3A_4, %dot_general3A {dimension_numbers = #tpu.dot_dimension_numbers<[1], [0], [0], [1], [0, 0, 1, 1], [], []>, transpose_lhs_hint = false} : vector<1024x2048xf32>, vector<2048x2048xf32>, vector<1024x2048xf32> -> vector<1024x2048xf32>
    %get3A_6 = arith.constant 0 : index
    %get3A_7 = arith.constant 0 : index
    %get3A_8 = vector.load %arg4[%get3A_6, %get3A_7] : memref<1x2048xf32, #tpu.memory_space<vmem>>, vector<1x2048xf32>
    %add3A = vector.broadcast %get3A_8 : vector<1x2048xf32> to vector<1024x2048xf32>
    %add3A_9 = arith.addf %dot_general3A_5, %add3A : vector<1024x2048xf32>
    %max3A = arith.constant 0.000000e+00 : f32
    %max3A_10 = vector.broadcast %max3A : f32 to vector<1024x2048xf32>
    %max3A_11 = arith.maximumf %add3A_9, %max3A_10 : vector<1024x2048xf32>
    %convert_element_type3A = arith.truncf %max3A_11 : vector<1024x2048xf32> to vector<1024x2048xbf16>
    %get3A_12 = arith.constant 0 : index
    %get3A_13 = arith.constant 0 : index
    %get3A_14 = vector.load %arg5[%get3A_12, %get3A_13] : memref<2048x1xf32, #tpu.memory_space<vmem>>, vector<2048x1xf32>
    %convert_element_type3A_15 = arith.truncf %get3A_14 : vector<2048x1xf32> to vector<2048x1xbf16>
    %dot_general3A_16 = arith.constant dense<0.000000e+00> : vector<1x1024xf32>
    %dot_general3A_17 = tpu.matmul %convert_element_type3A_15, %convert_element_type3A, %dot_general3A_16 {dimension_numbers = #tpu.dot_dimension_numbers<[0], [1], [1], [0], [0, 1, 1, 0], [], []>, transpose_lhs_hint = false} : vector<2048x1xbf16>, vector<1024x2048xbf16>, vector<1x1024xf32> -> vector<1x1024xf32>
    %jit3A = arith.constant 4 : i32
    %div3A = arith.divsi %arg0, %jit3A : i32
    %sign3A = arith.constant 0 : i32
    %sign3A_18 = arith.cmpi sgt, %arg0, %sign3A : i32
    %sign3A_19 = arith.extui %sign3A_18 : i1 to i32
    %sign3A_20 = arith.constant 0 : i32
    %sign3A_21 = arith.cmpi slt, %arg0, %sign3A_20 : i32
    %sign3A_22 = arith.extui %sign3A_21 : i1 to i32
    %sign3A_23 = arith.subi %sign3A_19, %sign3A_22 : i32
    %sign3A_24 = arith.constant 0 : i32
    %sign3A_25 = arith.cmpi sgt, %jit3A, %sign3A_24 : i32
    %sign3A_26 = arith.extui %sign3A_25 : i1 to i32
    %sign3A_27 = arith.constant 0 : i32
    %sign3A_28 = arith.cmpi slt, %jit3A, %sign3A_27 : i32
    %sign3A_29 = arith.extui %sign3A_28 : i1 to i32
    %sign3A_30 = arith.subi %sign3A_26, %sign3A_29 : i32
    %ne3A = arith.cmpi ne, %sign3A_23, %sign3A_30 : i32
    %rem3A = arith.remsi %arg0, %jit3A : i32
    %ne3A_31 = arith.constant 0 : i32
    %ne3A_32 = arith.cmpi ne, %rem3A, %ne3A_31 : i32
    %and3A = arith.andi %ne3A, %ne3A_32 : i1
    %sub3A = arith.constant 1 : i32
    %sub3A_33 = arith.subi %div3A, %sub3A : i32
    %select_n3A = arith.select %and3A, %sub3A_33, %div3A : i32
    %rem3A_34 = arith.constant 4 : i32
    %rem3A_35 = arith.remsi %arg0, %rem3A_34 : i32
    %mul3A = arith.constant 1024 : i32
    %mul3A_36 = arith.muli %rem3A_35, %mul3A : i32
    %get3A_37 = arith.index_cast %select_n3A : i32 to index
    %get3A_38 = arith.index_cast %mul3A_36 : i32 to index
    %get3A_39 = vector.load %arg2[%get3A_37, %get3A_38] : memref<4x4096xf32, #tpu.memory_space<vmem>>, vector<1x1024xf32>
    %get3A_40 = arith.constant 0 : index
    %get3A_41 = arith.constant 0 : index
    %get3A_42 = vector.load %arg6[%get3A_40, %get3A_41] : memref<1x1xf32, #tpu.memory_space<vmem>>, vector<1x1xf32>
    %add3A_43 = vector.broadcast %get3A_42 : vector<1x1xf32> to vector<1x1024xf32>
    %add3A_44 = arith.addf %dot_general3A_17, %add3A_43 : vector<1x1024xf32>
    %log3A = math.log %get3A_39 : vector<1x1024xf32>
    %add3A_45 = arith.addf %add3A_44, %log3A : vector<1x1024xf32>
    %mul3A_46 = arith.constant 1024 : i32
    %mul3A_47 = arith.muli %rem3A_35, %mul3A_46 : i32
    %swap3A = arith.index_cast %select_n3A : i32 to index
    %swap3A_48 = arith.index_cast %mul3A_47 : i32 to index
    %swap3A_49 = vector.load %arg11[%swap3A, %swap3A_48] : memref<4x4096xf32, #tpu.memory_space<vmem>>, vector<1x1024xf32>
    tpu.vector_store %arg11[%swap3A, %swap3A_48], %add3A_45 {strides = array<i32>} : memref<4x4096xf32, #tpu.memory_space<vmem>>, vector<1x1024xf32>,
    %eq3A = arith.constant 15 : i32
    %eq3A_50 = arith.cmpi eq, %arg0, %eq3A : i32
    %convert_element_type3A_51 = arith.extui %eq3A_50 : i1 to i32
    %cond3A = arith.constant 0 : i32
    %cond3A_52 = arith.cmpi ne, %convert_element_type3A_51, %cond3A : i32
    scf.if %cond3A_52 {
      %get3A_53 = arith.constant 0 : index
      %get3A_54 = arith.constant 0 : index
      %get3A_55 = vector.load %arg11[%get3A_53, %get3A_54] : memref<4x4096xf32, #tpu.memory_space<vmem>>, vector<4x4096xf32>
      %get3A_56 = arith.constant 0 : index
      %get3A_57 = arith.constant 0 : index
      %get3A_58 = vector.load %arg2[%get3A_56, %get3A_57] : memref<4x4096xf32, #tpu.memory_space<vmem>>, vector<4x4096xf32>
      %get3A_59 = arith.constant 0 : index
      %get3A_60 = arith.constant 0 : index
      %get3A_61 = memref.load %arg7[%get3A_59, %get3A_60] : memref<1x1xi32, #tpu.memory_space<smem>>
      %max3A_62 = arith.constant -3.40282347E+38 : f32
      %max3A_63 = vector.broadcast %max3A_62 : f32 to vector<4x4096xf32>
      %max3A_64 = arith.maximumf %get3A_55, %max3A_63 : vector<4x4096xf32>
      %broadcast_in_dim3A = arith.constant 0 : i32
      %broadcast_in_dim3A_65 = vector.broadcast %broadcast_in_dim3A : i32 to vector<4x1xi32>
      %scan3A = arith.constant 5.120000e+02 : f32
      %scan3A_66 = arith.constant 0 : i32
      %scan3A_67 = arith.constant 32 : i32
      %scan3A_68 = arith.addi %scan3A_66, %scan3A_67 : i32
      %scan3A_69 = arith.constant 1 : i32
      %scan3A_70 = scf.for %scan3A_897 = %scan3A_66 to %scan3A_68 step %scan3A_69 iter_args(%scan3A_898 = %broadcast_in_dim3A_65) -> (vector<4x1xi32>)  : i32 {
        %sub3A_899 = arith.constant 31 : i32
        %sub3A_900 = arith.subi %sub3A_899, %scan3A_897 : i32
        %shift_left3A = arith.constant 1 : i32
        %shift_left3A_901 = arith.shli %shift_left3A, %sub3A_900 : i32
        %or3A = vector.broadcast %shift_left3A_901 : i32 to vector<4x1xi32>
        %or3A_902 = arith.ori %scan3A_898, %or3A : vector<4x1xi32>
        %lt3A_903 = arith.constant 0 : i32
        %lt3A_904 = vector.broadcast %lt3A_903 : i32 to vector<4x1xi32>
        %lt3A_905 = arith.cmpi slt, %or3A_902, %lt3A_904 : vector<4x1xi32>
        %xor3A_906 = arith.constant -2147483648 : i32
        %xor3A_907 = vector.broadcast %xor3A_906 : i32 to vector<4x1xi32>
        %xor3A_908 = arith.xori %or3A_902, %xor3A_907 : vector<4x1xi32>
        %not3A_909 = arith.constant dense<-1> : vector<4x1xi32>
        %not3A_910 = arith.xori %or3A_902, %not3A_909 : vector<4x1xi32>
        %select_n3A_911 = arith.select %lt3A_905, %xor3A_908, %not3A_910 : vector<4x1xi1>, vector<4x1xi32>
        %bitcast_convert_type3A_912 = tpu.bitcast %select_n3A_911 : vector<4x1xi32> -> vector<4x1xf32>
        %ge3A_913 = vector.broadcast %bitcast_convert_type3A_912 : vector<4x1xf32> to vector<4x4096xf32>
        %ge3A_914 = arith.cmpf oge, %max3A_64, %ge3A_913 : vector<4x4096xf32>
        %convert_element_type3A_915 = arith.extui %ge3A_914 : vector<4x4096xi1> to vector<4x4096xi32>
        %convert_element_type3A_916 = arith.sitofp %convert_element_type3A_915 : vector<4x4096xi32> to vector<4x4096xf32>
        %reduce_sum3A_917 = arith.constant dense<0.000000e+00> : vector<4xf32>
        %reduce_sum3A_918 = vector.multi_reduction <add>, %convert_element_type3A_916, %reduce_sum3A_917 [1] : vector<4x4096xf32> to vector<4xf32>
        %broadcast_in_dim3A_919 = vector.shape_cast %reduce_sum3A_918 : vector<4xf32> to vector<4x1xf32>
        %ge3A_920 = vector.broadcast %scan3A : f32 to vector<4x1xf32>
        %ge3A_921 = arith.cmpf oge, %broadcast_in_dim3A_919, %ge3A_920 : vector<4x1xf32>
        %select_n3A_922 = arith.select %ge3A_921, %or3A_902, %scan3A_898 : vector<4x1xi1>, vector<4x1xi32>
        scf.yield %select_n3A_922 : vector<4x1xi32>
      }
      %scan3A_71 = arith.constant 32 : i32
      %lt3A = arith.constant 0 : i32
      %lt3A_72 = vector.broadcast %lt3A : i32 to vector<4x1xi32>
      %lt3A_73 = arith.cmpi slt, %scan3A_70, %lt3A_72 : vector<4x1xi32>
      %xor3A = arith.constant -2147483648 : i32
      %xor3A_74 = vector.broadcast %xor3A : i32 to vector<4x1xi32>
      %xor3A_75 = arith.xori %scan3A_70, %xor3A_74 : vector<4x1xi32>
      %not3A = arith.constant dense<-1> : vector<4x1xi32>
      %not3A_76 = arith.xori %scan3A_70, %not3A : vector<4x1xi32>
      %select_n3A_77 = arith.select %lt3A_73, %xor3A_75, %not3A_76 : vector<4x1xi1>, vector<4x1xi32>
      %bitcast_convert_type3A = tpu.bitcast %select_n3A_77 : vector<4x1xi32> -> vector<4x1xf32>
      %gt3A = vector.broadcast %bitcast_convert_type3A : vector<4x1xf32> to vector<4x4096xf32>
      %gt3A_78 = arith.cmpf ogt, %max3A_64, %gt3A : vector<4x4096xf32>
      %convert_element_type3A_79 = arith.extui %gt3A_78 : vector<4x4096xi1> to vector<4x4096xi32>
      %convert_element_type3A_80 = arith.sitofp %convert_element_type3A_79 : vector<4x4096xi32> to vector<4x4096xf32>
      %eq3A_81 = vector.broadcast %bitcast_convert_type3A : vector<4x1xf32> to vector<4x4096xf32>
      %eq3A_82 = arith.cmpf oeq, %max3A_64, %eq3A_81 : vector<4x4096xf32>
      %convert_element_type3A_83 = arith.extui %eq3A_82 : vector<4x4096xi1> to vector<4x4096xi32>
      %convert_element_type3A_84 = arith.sitofp %convert_element_type3A_83 : vector<4x4096xi32> to vector<4x4096xf32>
      %reduce_sum3A = arith.constant dense<0.000000e+00> : vector<4xf32>
      %reduce_sum3A_85 = vector.multi_reduction <add>, %convert_element_type3A_80, %reduce_sum3A [1] : vector<4x4096xf32> to vector<4xf32>
      %broadcast_in_dim3A_86 = vector.shape_cast %reduce_sum3A_85 : vector<4xf32> to vector<4x1xf32>
      %sub3A_87 = arith.constant 5.120000e+02 : f32
      %sub3A_88 = vector.broadcast %sub3A_87 : f32 to vector<4x1xf32>
      %sub3A_89 = arith.subf %sub3A_88, %broadcast_in_dim3A_86 : vector<4x1xf32>
      %iota3A = tpu.iota {dimensions = array<i32: 1>} : vector<4x4096xi32>
      %ge3A = arith.constant 1 : i32
      %ge3A_90 = vector.broadcast %ge3A : i32 to vector<4x4096xi32>
      %ge3A_91 = arith.cmpi sge, %iota3A, %ge3A_90 : vector<4x4096xi32>
      %roll3A = arith.constant 1 : i32
      %roll3A_92 = tpu.dynamic_rotate %convert_element_type3A_80 by %roll3A dim 1 : vector<4x4096xf32>, i32 -> vector<4x4096xf32>
      %jit3A_93 = arith.constant 0.000000e+00 : f32
      %broadcast_in_dim3A_94 = vector.broadcast %jit3A_93 : f32 to vector<4x4096xf32>
      %select_n3A_95 = arith.select %ge3A_91, %roll3A_92, %broadcast_in_dim3A_94 : vector<4x4096xi1>, vector<4x4096xf32>
      %add3A_96 = arith.addf %convert_element_type3A_80, %select_n3A_95 : vector<4x4096xf32>
      %ge3A_97 = arith.constant 2 : i32
      %ge3A_98 = vector.broadcast %ge3A_97 : i32 to vector<4x4096xi32>
      %ge3A_99 = arith.cmpi sge, %iota3A, %ge3A_98 : vector<4x4096xi32>
      %roll3A_100 = arith.constant 2 : i32
      %roll3A_101 = tpu.dynamic_rotate %add3A_96 by %roll3A_100 dim 1 : vector<4x4096xf32>, i32 -> vector<4x4096xf32>
      %jit3A_102 = arith.constant 0.000000e+00 : f32
      %broadcast_in_dim3A_103 = vector.broadcast %jit3A_102 : f32 to vector<4x4096xf32>
      %select_n3A_104 = arith.select %ge3A_99, %roll3A_101, %broadcast_in_dim3A_103 : vector<4x4096xi1>, vector<4x4096xf32>
      %add3A_105 = arith.addf %add3A_96, %select_n3A_104 : vector<4x4096xf32>
      %ge3A_106 = arith.constant 4 : i32
      %ge3A_107 = vector.broadcast %ge3A_106 : i32 to vector<4x4096xi32>
      %ge3A_108 = arith.cmpi sge, %iota3A, %ge3A_107 : vector<4x4096xi32>
      %roll3A_109 = arith.constant 4 : i32
      %roll3A_110 = tpu.dynamic_rotate %add3A_105 by %roll3A_109 dim 1 : vector<4x4096xf32>, i32 -> vector<4x4096xf32>
      %jit3A_111 = arith.constant 0.000000e+00 : f32
      %broadcast_in_dim3A_112 = vector.broadcast %jit3A_111 : f32 to vector<4x4096xf32>
      %select_n3A_113 = arith.select %ge3A_108, %roll3A_110, %broadcast_in_dim3A_112 : vector<4x4096xi1>, vector<4x4096xf32>
      %add3A_114 = arith.addf %add3A_105, %select_n3A_113 : vector<4x4096xf32>
      %ge3A_115 = arith.constant 8 : i32
      %ge3A_116 = vector.broadcast %ge3A_115 : i32 to vector<4x4096xi32>
      %ge3A_117 = arith.cmpi sge, %iota3A, %ge3A_116 : vector<4x4096xi32>
      %roll3A_118 = arith.constant 8 : i32
      %roll3A_119 = tpu.dynamic_rotate %add3A_114 by %roll3A_118 dim 1 : vector<4x4096xf32>, i32 -> vector<4x4096xf32>
      %jit3A_120 = arith.constant 0.000000e+00 : f32
      %broadcast_in_dim3A_121 = vector.broadcast %jit3A_120 : f32 to vector<4x4096xf32>
      %select_n3A_122 = arith.select %ge3A_117, %roll3A_119, %broadcast_in_dim3A_121 : vector<4x4096xi1>, vector<4x4096xf32>
      %add3A_123 = arith.addf %add3A_114, %select_n3A_122 : vector<4x4096xf32>
      %ge3A_124 = arith.constant 16 : i32
      %ge3A_125 = vector.broadcast %ge3A_124 : i32 to vector<4x4096xi32>
      %ge3A_126 = arith.cmpi sge, %iota3A, %ge3A_125 : vector<4x4096xi32>
      %roll3A_127 = arith.constant 16 : i32
      %roll3A_128 = tpu.dynamic_rotate %add3A_123 by %roll3A_127 dim 1 : vector<4x4096xf32>, i32 -> vector<4x4096xf32>
      %jit3A_129 = arith.constant 0.000000e+00 : f32
      %broadcast_in_dim3A_130 = vector.broadcast %jit3A_129 : f32 to vector<4x4096xf32>
      %select_n3A_131 = arith.select %ge3A_126, %roll3A_128, %broadcast_in_dim3A_130 : vector<4x4096xi1>, vector<4x4096xf32>
      %add3A_132 = arith.addf %add3A_123, %select_n3A_131 : vector<4x4096xf32>
      %ge3A_133 = arith.constant 32 : i32
      %ge3A_134 = vector.broadcast %ge3A_133 : i32 to vector<4x4096xi32>
      %ge3A_135 = arith.cmpi sge, %iota3A, %ge3A_134 : vector<4x4096xi32>
      %roll3A_136 = arith.constant 32 : i32
      %roll3A_137 = tpu.dynamic_rotate %add3A_132 by %roll3A_136 dim 1 : vector<4x4096xf32>, i32 -> vector<4x4096xf32>
      %jit3A_138 = arith.constant 0.000000e+00 : f32
      %broadcast_in_dim3A_139 = vector.broadcast %jit3A_138 : f32 to vector<4x4096xf32>
      %select_n3A_140 = arith.select %ge3A_135, %roll3A_137, %broadcast_in_dim3A_139 : vector<4x4096xi1>, vector<4x4096xf32>
      %add3A_141 = arith.addf %add3A_132, %select_n3A_140 : vector<4x4096xf32>
      %ge3A_142 = arith.constant 64 : i32
      %ge3A_143 = vector.broadcast %ge3A_142 : i32 to vector<4x4096xi32>
      %ge3A_144 = arith.cmpi sge, %iota3A, %ge3A_143 : vector<4x4096xi32>
      %roll3A_145 = arith.constant 64 : i32
      %roll3A_146 = tpu.dynamic_rotate %add3A_141 by %roll3A_145 dim 1 : vector<4x4096xf32>, i32 -> vector<4x4096xf32>
      %jit3A_147 = arith.constant 0.000000e+00 : f32
      %broadcast_in_dim3A_148 = vector.broadcast %jit3A_147 : f32 to vector<4x4096xf32>
      %select_n3A_149 = arith.select %ge3A_144, %roll3A_146, %broadcast_in_dim3A_148 : vector<4x4096xi1>, vector<4x4096xf32>
      %add3A_150 = arith.addf %add3A_141, %select_n3A_149 : vector<4x4096xf32>
      %ge3A_151 = arith.constant 128 : i32
      %ge3A_152 = vector.broadcast %ge3A_151 : i32 to vector<4x4096xi32>
      %ge3A_153 = arith.cmpi sge, %iota3A, %ge3A_152 : vector<4x4096xi32>
      %roll3A_154 = arith.constant 128 : i32
      %roll3A_155 = tpu.dynamic_rotate %add3A_150 by %roll3A_154 dim 1 : vector<4x4096xf32>, i32 -> vector<4x4096xf32>
      %jit3A_156 = arith.constant 0.000000e+00 : f32
      %broadcast_in_dim3A_157 = vector.broadcast %jit3A_156 : f32 to vector<4x4096xf32>
      %select_n3A_158 = arith.select %ge3A_153, %roll3A_155, %broadcast_in_dim3A_157 : vector<4x4096xi1>, vector<4x4096xf32>
      %add3A_159 = arith.addf %add3A_150, %select_n3A_158 : vector<4x4096xf32>
      %ge3A_160 = arith.constant 256 : i32
      %ge3A_161 = vector.broadcast %ge3A_160 : i32 to vector<4x4096xi32>
      %ge3A_162 = arith.cmpi sge, %iota3A, %ge3A_161 : vector<4x4096xi32>
      %roll3A_163 = arith.constant 256 : i32
      %roll3A_164 = tpu.dynamic_rotate %add3A_159 by %roll3A_163 dim 1 : vector<4x4096xf32>, i32 -> vector<4x4096xf32>
      %jit3A_165 = arith.constant 0.000000e+00 : f32
      %broadcast_in_dim3A_166 = vector.broadcast %jit3A_165 : f32 to vector<4x4096xf32>
      %select_n3A_167 = arith.select %ge3A_162, %roll3A_164, %broadcast_in_dim3A_166 : vector<4x4096xi1>, vector<4x4096xf32>
      %add3A_168 = arith.addf %add3A_159, %select_n3A_167 : vector<4x4096xf32>
      %ge3A_169 = arith.constant 512 : i32
      %ge3A_170 = vector.broadcast %ge3A_169 : i32 to vector<4x4096xi32>
      %ge3A_171 = arith.cmpi sge, %iota3A, %ge3A_170 : vector<4x4096xi32>
      %roll3A_172 = arith.constant 512 : i32
      %roll3A_173 = tpu.dynamic_rotate %add3A_168 by %roll3A_172 dim 1 : vector<4x4096xf32>, i32 -> vector<4x4096xf32>
      %jit3A_174 = arith.constant 0.000000e+00 : f32
      %broadcast_in_dim3A_175 = vector.broadcast %jit3A_174 : f32 to vector<4x4096xf32>
      %select_n3A_176 = arith.select %ge3A_171, %roll3A_173, %broadcast_in_dim3A_175 : vector<4x4096xi1>, vector<4x4096xf32>
      %add3A_177 = arith.addf %add3A_168, %select_n3A_176 : vector<4x4096xf32>
      %ge3A_178 = arith.constant 1024 : i32
      %ge3A_179 = vector.broadcast %ge3A_178 : i32 to vector<4x4096xi32>
      %ge3A_180 = arith.cmpi sge, %iota3A, %ge3A_179 : vector<4x4096xi32>
      %roll3A_181 = arith.constant 1024 : i32
      %roll3A_182 = tpu.dynamic_rotate %add3A_177 by %roll3A_181 dim 1 : vector<4x4096xf32>, i32 -> vector<4x4096xf32>
      %jit3A_183 = arith.constant 0.000000e+00 : f32
      %broadcast_in_dim3A_184 = vector.broadcast %jit3A_183 : f32 to vector<4x4096xf32>
      %select_n3A_185 = arith.select %ge3A_180, %roll3A_182, %broadcast_in_dim3A_184 : vector<4x4096xi1>, vector<4x4096xf32>
      %add3A_186 = arith.addf %add3A_177, %select_n3A_185 : vector<4x4096xf32>
      %ge3A_187 = arith.constant 2048 : i32
      %ge3A_188 = vector.broadcast %ge3A_187 : i32 to vector<4x4096xi32>
      %ge3A_189 = arith.cmpi sge, %iota3A, %ge3A_188 : vector<4x4096xi32>
      %roll3A_190 = arith.constant 2048 : i32
      %roll3A_191 = tpu.dynamic_rotate %add3A_186 by %roll3A_190 dim 1 : vector<4x4096xf32>, i32 -> vector<4x4096xf32>
      %jit3A_192 = arith.constant 0.000000e+00 : f32
      %broadcast_in_dim3A_193 = vector.broadcast %jit3A_192 : f32 to vector<4x4096xf32>
      %select_n3A_194 = arith.select %ge3A_189, %roll3A_191, %broadcast_in_dim3A_193 : vector<4x4096xi1>, vector<4x4096xf32>
      %add3A_195 = arith.addf %add3A_186, %select_n3A_194 : vector<4x4096xf32>
      %iota3A_196 = tpu.iota {dimensions = array<i32: 1>} : vector<4x4096xi32>
      %ge3A_197 = arith.constant 1 : i32
      %ge3A_198 = vector.broadcast %ge3A_197 : i32 to vector<4x4096xi32>
      %ge3A_199 = arith.cmpi sge, %iota3A_196, %ge3A_198 : vector<4x4096xi32>
      %roll3A_200 = arith.constant 1 : i32
      %roll3A_201 = tpu.dynamic_rotate %convert_element_type3A_84 by %roll3A_200 dim 1 : vector<4x4096xf32>, i32 -> vector<4x4096xf32>
      %jit3A_202 = arith.constant 0.000000e+00 : f32
      %broadcast_in_dim3A_203 = vector.broadcast %jit3A_202 : f32 to vector<4x4096xf32>
      %select_n3A_204 = arith.select %ge3A_199, %roll3A_201, %broadcast_in_dim3A_203 : vector<4x4096xi1>, vector<4x4096xf32>
      %add3A_205 = arith.addf %convert_element_type3A_84, %select_n3A_204 : vector<4x4096xf32>
      %ge3A_206 = arith.constant 2 : i32
      %ge3A_207 = vector.broadcast %ge3A_206 : i32 to vector<4x4096xi32>
      %ge3A_208 = arith.cmpi sge, %iota3A_196, %ge3A_207 : vector<4x4096xi32>
      %roll3A_209 = arith.constant 2 : i32
      %roll3A_210 = tpu.dynamic_rotate %add3A_205 by %roll3A_209 dim 1 : vector<4x4096xf32>, i32 -> vector<4x4096xf32>
      %jit3A_211 = arith.constant 0.000000e+00 : f32
      %broadcast_in_dim3A_212 = vector.broadcast %jit3A_211 : f32 to vector<4x4096xf32>
      %select_n3A_213 = arith.select %ge3A_208, %roll3A_210, %broadcast_in_dim3A_212 : vector<4x4096xi1>, vector<4x4096xf32>
      %add3A_214 = arith.addf %add3A_205, %select_n3A_213 : vector<4x4096xf32>
      %ge3A_215 = arith.constant 4 : i32
      %ge3A_216 = vector.broadcast %ge3A_215 : i32 to vector<4x4096xi32>
      %ge3A_217 = arith.cmpi sge, %iota3A_196, %ge3A_216 : vector<4x4096xi32>
      %roll3A_218 = arith.constant 4 : i32
      %roll3A_219 = tpu.dynamic_rotate %add3A_214 by %roll3A_218 dim 1 : vector<4x4096xf32>, i32 -> vector<4x4096xf32>
      %jit3A_220 = arith.constant 0.000000e+00 : f32
      %broadcast_in_dim3A_221 = vector.broadcast %jit3A_220 : f32 to vector<4x4096xf32>
      %select_n3A_222 = arith.select %ge3A_217, %roll3A_219, %broadcast_in_dim3A_221 : vector<4x4096xi1>, vector<4x4096xf32>
      %add3A_223 = arith.addf %add3A_214, %select_n3A_222 : vector<4x4096xf32>
      %ge3A_224 = arith.constant 8 : i32
      %ge3A_225 = vector.broadcast %ge3A_224 : i32 to vector<4x4096xi32>
      %ge3A_226 = arith.cmpi sge, %iota3A_196, %ge3A_225 : vector<4x4096xi32>
      %roll3A_227 = arith.constant 8 : i32
      %roll3A_228 = tpu.dynamic_rotate %add3A_223 by %roll3A_227 dim 1 : vector<4x4096xf32>, i32 -> vector<4x4096xf32>
      %jit3A_229 = arith.constant 0.000000e+00 : f32
      %broadcast_in_dim3A_230 = vector.broadcast %jit3A_229 : f32 to vector<4x4096xf32>
      %select_n3A_231 = arith.select %ge3A_226, %roll3A_228, %broadcast_in_dim3A_230 : vector<4x4096xi1>, vector<4x4096xf32>
      %add3A_232 = arith.addf %add3A_223, %select_n3A_231 : vector<4x4096xf32>
      %ge3A_233 = arith.constant 16 : i32
      %ge3A_234 = vector.broadcast %ge3A_233 : i32 to vector<4x4096xi32>
      %ge3A_235 = arith.cmpi sge, %iota3A_196, %ge3A_234 : vector<4x4096xi32>
      %roll3A_236 = arith.constant 16 : i32
      %roll3A_237 = tpu.dynamic_rotate %add3A_232 by %roll3A_236 dim 1 : vector<4x4096xf32>, i32 -> vector<4x4096xf32>
      %jit3A_238 = arith.constant 0.000000e+00 : f32
      %broadcast_in_dim3A_239 = vector.broadcast %jit3A_238 : f32 to vector<4x4096xf32>
      %select_n3A_240 = arith.select %ge3A_235, %roll3A_237, %broadcast_in_dim3A_239 : vector<4x4096xi1>, vector<4x4096xf32>
      %add3A_241 = arith.addf %add3A_232, %select_n3A_240 : vector<4x4096xf32>
      %ge3A_242 = arith.constant 32 : i32
      %ge3A_243 = vector.broadcast %ge3A_242 : i32 to vector<4x4096xi32>
      %ge3A_244 = arith.cmpi sge, %iota3A_196, %ge3A_243 : vector<4x4096xi32>
      %roll3A_245 = arith.constant 32 : i32
      %roll3A_246 = tpu.dynamic_rotate %add3A_241 by %roll3A_245 dim 1 : vector<4x4096xf32>, i32 -> vector<4x4096xf32>
      %jit3A_247 = arith.constant 0.000000e+00 : f32
      %broadcast_in_dim3A_248 = vector.broadcast %jit3A_247 : f32 to vector<4x4096xf32>
      %select_n3A_249 = arith.select %ge3A_244, %roll3A_246, %broadcast_in_dim3A_248 : vector<4x4096xi1>, vector<4x4096xf32>
      %add3A_250 = arith.addf %add3A_241, %select_n3A_249 : vector<4x4096xf32>
      %ge3A_251 = arith.constant 64 : i32
      %ge3A_252 = vector.broadcast %ge3A_251 : i32 to vector<4x4096xi32>
      %ge3A_253 = arith.cmpi sge, %iota3A_196, %ge3A_252 : vector<4x4096xi32>
      %roll3A_254 = arith.constant 64 : i32
      %roll3A_255 = tpu.dynamic_rotate %add3A_250 by %roll3A_254 dim 1 : vector<4x4096xf32>, i32 -> vector<4x4096xf32>
      %jit3A_256 = arith.constant 0.000000e+00 : f32
      %broadcast_in_dim3A_257 = vector.broadcast %jit3A_256 : f32 to vector<4x4096xf32>
      %select_n3A_258 = arith.select %ge3A_253, %roll3A_255, %broadcast_in_dim3A_257 : vector<4x4096xi1>, vector<4x4096xf32>
      %add3A_259 = arith.addf %add3A_250, %select_n3A_258 : vector<4x4096xf32>
      %ge3A_260 = arith.constant 128 : i32
      %ge3A_261 = vector.broadcast %ge3A_260 : i32 to vector<4x4096xi32>
      %ge3A_262 = arith.cmpi sge, %iota3A_196, %ge3A_261 : vector<4x4096xi32>
      %roll3A_263 = arith.constant 128 : i32
      %roll3A_264 = tpu.dynamic_rotate %add3A_259 by %roll3A_263 dim 1 : vector<4x4096xf32>, i32 -> vector<4x4096xf32>
      %jit3A_265 = arith.constant 0.000000e+00 : f32
      %broadcast_in_dim3A_266 = vector.broadcast %jit3A_265 : f32 to vector<4x4096xf32>
      %select_n3A_267 = arith.select %ge3A_262, %roll3A_264, %broadcast_in_dim3A_266 : vector<4x4096xi1>, vector<4x4096xf32>
      %add3A_268 = arith.addf %add3A_259, %select_n3A_267 : vector<4x4096xf32>
      %ge3A_269 = arith.constant 256 : i32
      %ge3A_270 = vector.broadcast %ge3A_269 : i32 to vector<4x4096xi32>
      %ge3A_271 = arith.cmpi sge, %iota3A_196, %ge3A_270 : vector<4x4096xi32>
      %roll3A_272 = arith.constant 256 : i32
      %roll3A_273 = tpu.dynamic_rotate %add3A_268 by %roll3A_272 dim 1 : vector<4x4096xf32>, i32 -> vector<4x4096xf32>
      %jit3A_274 = arith.constant 0.000000e+00 : f32
      %broadcast_in_dim3A_275 = vector.broadcast %jit3A_274 : f32 to vector<4x4096xf32>
      %select_n3A_276 = arith.select %ge3A_271, %roll3A_273, %broadcast_in_dim3A_275 : vector<4x4096xi1>, vector<4x4096xf32>
      %add3A_277 = arith.addf %add3A_268, %select_n3A_276 : vector<4x4096xf32>
      %ge3A_278 = arith.constant 512 : i32
      %ge3A_279 = vector.broadcast %ge3A_278 : i32 to vector<4x4096xi32>
      %ge3A_280 = arith.cmpi sge, %iota3A_196, %ge3A_279 : vector<4x4096xi32>
      %roll3A_281 = arith.constant 512 : i32
      %roll3A_282 = tpu.dynamic_rotate %add3A_277 by %roll3A_281 dim 1 : vector<4x4096xf32>, i32 -> vector<4x4096xf32>
      %jit3A_283 = arith.constant 0.000000e+00 : f32
      %broadcast_in_dim3A_284 = vector.broadcast %jit3A_283 : f32 to vector<4x4096xf32>
      %select_n3A_285 = arith.select %ge3A_280, %roll3A_282, %broadcast_in_dim3A_284 : vector<4x4096xi1>, vector<4x4096xf32>
      %add3A_286 = arith.addf %add3A_277, %select_n3A_285 : vector<4x4096xf32>
      %ge3A_287 = arith.constant 1024 : i32
      %ge3A_288 = vector.broadcast %ge3A_287 : i32 to vector<4x4096xi32>
      %ge3A_289 = arith.cmpi sge, %iota3A_196, %ge3A_288 : vector<4x4096xi32>
      %roll3A_290 = arith.constant 1024 : i32
      %roll3A_291 = tpu.dynamic_rotate %add3A_286 by %roll3A_290 dim 1 : vector<4x4096xf32>, i32 -> vector<4x4096xf32>
      %jit3A_292 = arith.constant 0.000000e+00 : f32
      %broadcast_in_dim3A_293 = vector.broadcast %jit3A_292 : f32 to vector<4x4096xf32>
      %select_n3A_294 = arith.select %ge3A_289, %roll3A_291, %broadcast_in_dim3A_293 : vector<4x4096xi1>, vector<4x4096xf32>
      %add3A_295 = arith.addf %add3A_286, %select_n3A_294 : vector<4x4096xf32>
      %ge3A_296 = arith.constant 2048 : i32
      %ge3A_297 = vector.broadcast %ge3A_296 : i32 to vector<4x4096xi32>
      %ge3A_298 = arith.cmpi sge, %iota3A_196, %ge3A_297 : vector<4x4096xi32>
      %roll3A_299 = arith.constant 2048 : i32
      %roll3A_300 = tpu.dynamic_rotate %add3A_295 by %roll3A_299 dim 1 : vector<4x4096xf32>, i32 -> vector<4x4096xf32>
      %jit3A_301 = arith.constant 0.000000e+00 : f32
      %broadcast_in_dim3A_302 = vector.broadcast %jit3A_301 : f32 to vector<4x4096xf32>
      %select_n3A_303 = arith.select %ge3A_298, %roll3A_300, %broadcast_in_dim3A_302 : vector<4x4096xi1>, vector<4x4096xf32>
      %add3A_304 = arith.addf %add3A_295, %select_n3A_303 : vector<4x4096xf32>
      %le3A = vector.broadcast %sub3A_89 : vector<4x1xf32> to vector<4x4096xf32>
      %le3A_305 = arith.cmpf ole, %add3A_304, %le3A : vector<4x4096xf32>
      %convert_element_type3A_306 = arith.extui %le3A_305 : vector<4x4096xi1> to vector<4x4096xi32>
      %convert_element_type3A_307 = arith.sitofp %convert_element_type3A_306 : vector<4x4096xi32> to vector<4x4096xf32>
      %mul3A_308 = arith.mulf %convert_element_type3A_84, %convert_element_type3A_307 : vector<4x4096xf32>
      %add3A_309 = arith.addf %convert_element_type3A_80, %mul3A_308 : vector<4x4096xf32>
      %min3A = vector.broadcast %sub3A_89 : vector<4x1xf32> to vector<4x4096xf32>
      %min3A_310 = arith.minimumf %add3A_304, %min3A : vector<4x4096xf32>
      %add3A_311 = arith.addf %add3A_195, %min3A_310 : vector<4x4096xf32>
      %iota3A_312 = tpu.iota {dimensions = array<i32: 0>} : vector<512x1xi32>
      %convert_element_type3A_313 = arith.sitofp %iota3A_312 : vector<512x1xi32> to vector<512x1xf32>
      %add3A_314 = arith.constant 1.000000e+00 : f32
      %add3A_315 = vector.broadcast %add3A_314 : f32 to vector<512x1xf32>
      %add3A_316 = arith.addf %convert_element_type3A_313, %add3A_315 : vector<512x1xf32>
      %iota3A_317 = tpu.iota {dimensions = array<i32: 1>} : vector<1x1024xi32>
      %convert_element_type3A_318 = arith.sitofp %iota3A_317 : vector<1x1024xi32> to vector<1x1024xf32>
      %broadcast_in_dim3A_319 = arith.constant 0.000000e+00 : f32
      %broadcast_in_dim3A_320 = vector.broadcast %broadcast_in_dim3A_319 : f32 to vector<512x1xf32>
      %broadcast_in_dim3A_321 = arith.constant 0.000000e+00 : f32
      %broadcast_in_dim3A_322 = vector.broadcast %broadcast_in_dim3A_321 : f32 to vector<512x1xf32>
      %slice3A = vector.extract_strided_slice %add3A_311 {offsets = [0, 0], sizes = [1, 1024], strides = [1, 1]} : vector<4x4096xf32> to vector<1x1024xf32>
      %eq3A_323 = vector.broadcast %add3A_316 : vector<512x1xf32> to vector<512x1024xf32>
      %eq3A_324 = vector.broadcast %slice3A : vector<1x1024xf32> to vector<512x1024xf32>
      %eq3A_325 = arith.cmpf oeq, %eq3A_323, %eq3A_324 : vector<512x1024xf32>
      %slice3A_326 = vector.extract_strided_slice %add3A_309 {offsets = [0, 0], sizes = [1, 1024], strides = [1, 1]} : vector<4x4096xf32> to vector<1x1024xf32>
      %gt3A_327 = arith.constant 5.000000e-01 : f32
      %gt3A_328 = vector.broadcast %gt3A_327 : f32 to vector<1x1024xf32>
      %gt3A_329 = arith.cmpf ogt, %slice3A_326, %gt3A_328 : vector<1x1024xf32>
      %and3A_330 = vector.broadcast %gt3A_329 : vector<1x1024xi1> to vector<512x1024xi1>
      %and3A_331 = arith.andi %eq3A_325, %and3A_330 : vector<512x1024xi1>
      %jit3A_332 = arith.constant 1.000000e+00 : f32
      %jit3A_333 = arith.constant 0.000000e+00 : f32
      %broadcast_in_dim3A_334 = vector.broadcast %jit3A_332 : f32 to vector<512x1024xf32>
      %broadcast_in_dim3A_335 = vector.broadcast %jit3A_333 : f32 to vector<512x1024xf32>
      %select_n3A_336 = arith.select %and3A_331, %broadcast_in_dim3A_334, %broadcast_in_dim3A_335 : vector<512x1024xi1>, vector<512x1024xf32>
      %add3A_337 = arith.constant 0.000000e+00 : f32
      %add3A_338 = vector.broadcast %add3A_337 : f32 to vector<1x1024xf32>
      %add3A_339 = arith.addf %convert_element_type3A_318, %add3A_338 : vector<1x1024xf32>
      %mul3A_340 = vector.broadcast %add3A_339 : vector<1x1024xf32> to vector<512x1024xf32>
      %mul3A_341 = arith.mulf %select_n3A_336, %mul3A_340 : vector<512x1024xf32>
      %reduce_sum3A_342 = arith.constant dense<0.000000e+00> : vector<512xf32>
      %reduce_sum3A_343 = vector.multi_reduction <add>, %mul3A_341, %reduce_sum3A_342 [1] : vector<512x1024xf32> to vector<512xf32>
      %broadcast_in_dim3A_344 = vector.shape_cast %reduce_sum3A_343 : vector<512xf32> to vector<512x1xf32>
      %add3A_345 = arith.addf %broadcast_in_dim3A_320, %broadcast_in_dim3A_344 : vector<512x1xf32>
      %slice3A_346 = vector.extract_strided_slice %get3A_58 {offsets = [0, 0], sizes = [1, 1024], strides = [1, 1]} : vector<4x4096xf32> to vector<1x1024xf32>
      %mul3A_347 = vector.broadcast %slice3A_346 : vector<1x1024xf32> to vector<512x1024xf32>
      %mul3A_348 = arith.mulf %select_n3A_336, %mul3A_347 : vector<512x1024xf32>
      %reduce_sum3A_349 = arith.constant dense<0.000000e+00> : vector<512xf32>
      %reduce_sum3A_350 = vector.multi_reduction <add>, %mul3A_348, %reduce_sum3A_349 [1] : vector<512x1024xf32> to vector<512xf32>
      %broadcast_in_dim3A_351 = vector.shape_cast %reduce_sum3A_350 : vector<512xf32> to vector<512x1xf32>
      %add3A_352 = arith.addf %broadcast_in_dim3A_322, %broadcast_in_dim3A_351 : vector<512x1xf32>
      %slice3A_353 = vector.extract_strided_slice %add3A_311 {offsets = [0, 1024], sizes = [1, 1024], strides = [1, 1]} : vector<4x4096xf32> to vector<1x1024xf32>
      %eq3A_354 = vector.broadcast %add3A_316 : vector<512x1xf32> to vector<512x1024xf32>
      %eq3A_355 = vector.broadcast %slice3A_353 : vector<1x1024xf32> to vector<512x1024xf32>
      %eq3A_356 = arith.cmpf oeq, %eq3A_354, %eq3A_355 : vector<512x1024xf32>
      %slice3A_357 = vector.extract_strided_slice %add3A_309 {offsets = [0, 1024], sizes = [1, 1024], strides = [1, 1]} : vector<4x4096xf32> to vector<1x1024xf32>
      %gt3A_358 = arith.constant 5.000000e-01 : f32
      %gt3A_359 = vector.broadcast %gt3A_358 : f32 to vector<1x1024xf32>
      %gt3A_360 = arith.cmpf ogt, %slice3A_357, %gt3A_359 : vector<1x1024xf32>
      %and3A_361 = vector.broadcast %gt3A_360 : vector<1x1024xi1> to vector<512x1024xi1>
      %and3A_362 = arith.andi %eq3A_356, %and3A_361 : vector<512x1024xi1>
      %jit3A_363 = arith.constant 1.000000e+00 : f32
      %jit3A_364 = arith.constant 0.000000e+00 : f32
      %broadcast_in_dim3A_365 = vector.broadcast %jit3A_363 : f32 to vector<512x1024xf32>
      %broadcast_in_dim3A_366 = vector.broadcast %jit3A_364 : f32 to vector<512x1024xf32>
      %select_n3A_367 = arith.select %and3A_362, %broadcast_in_dim3A_365, %broadcast_in_dim3A_366 : vector<512x1024xi1>, vector<512x1024xf32>
      %add3A_368 = arith.constant 1.024000e+03 : f32
      %add3A_369 = vector.broadcast %add3A_368 : f32 to vector<1x1024xf32>
      %add3A_370 = arith.addf %convert_element_type3A_318, %add3A_369 : vector<1x1024xf32>
      %mul3A_371 = vector.broadcast %add3A_370 : vector<1x1024xf32> to vector<512x1024xf32>
      %mul3A_372 = arith.mulf %select_n3A_367, %mul3A_371 : vector<512x1024xf32>
      %reduce_sum3A_373 = arith.constant dense<0.000000e+00> : vector<512xf32>
      %reduce_sum3A_374 = vector.multi_reduction <add>, %mul3A_372, %reduce_sum3A_373 [1] : vector<512x1024xf32> to vector<512xf32>
      %broadcast_in_dim3A_375 = vector.shape_cast %reduce_sum3A_374 : vector<512xf32> to vector<512x1xf32>
      %add3A_376 = arith.addf %add3A_345, %broadcast_in_dim3A_375 : vector<512x1xf32>
      %slice3A_377 = vector.extract_strided_slice %get3A_58 {offsets = [0, 1024], sizes = [1, 1024], strides = [1, 1]} : vector<4x4096xf32> to vector<1x1024xf32>
      %mul3A_378 = vector.broadcast %slice3A_377 : vector<1x1024xf32> to vector<512x1024xf32>
      %mul3A_379 = arith.mulf %select_n3A_367, %mul3A_378 : vector<512x1024xf32>
      %reduce_sum3A_380 = arith.constant dense<0.000000e+00> : vector<512xf32>
      %reduce_sum3A_381 = vector.multi_reduction <add>, %mul3A_379, %reduce_sum3A_380 [1] : vector<512x1024xf32> to vector<512xf32>
      %broadcast_in_dim3A_382 = vector.shape_cast %reduce_sum3A_381 : vector<512xf32> to vector<512x1xf32>
      %add3A_383 = arith.addf %add3A_352, %broadcast_in_dim3A_382 : vector<512x1xf32>
      %slice3A_384 = vector.extract_strided_slice %add3A_311 {offsets = [0, 2048], sizes = [1, 1024], strides = [1, 1]} : vector<4x4096xf32> to vector<1x1024xf32>
      %eq3A_385 = vector.broadcast %add3A_316 : vector<512x1xf32> to vector<512x1024xf32>
      %eq3A_386 = vector.broadcast %slice3A_384 : vector<1x1024xf32> to vector<512x1024xf32>
      %eq3A_387 = arith.cmpf oeq, %eq3A_385, %eq3A_386 : vector<512x1024xf32>
      %slice3A_388 = vector.extract_strided_slice %add3A_309 {offsets = [0, 2048], sizes = [1, 1024], strides = [1, 1]} : vector<4x4096xf32> to vector<1x1024xf32>
      %gt3A_389 = arith.constant 5.000000e-01 : f32
      %gt3A_390 = vector.broadcast %gt3A_389 : f32 to vector<1x1024xf32>
      %gt3A_391 = arith.cmpf ogt, %slice3A_388, %gt3A_390 : vector<1x1024xf32>
      %and3A_392 = vector.broadcast %gt3A_391 : vector<1x1024xi1> to vector<512x1024xi1>
      %and3A_393 = arith.andi %eq3A_387, %and3A_392 : vector<512x1024xi1>
      %jit3A_394 = arith.constant 1.000000e+00 : f32
      %jit3A_395 = arith.constant 0.000000e+00 : f32
      %broadcast_in_dim3A_396 = vector.broadcast %jit3A_394 : f32 to vector<512x1024xf32>
      %broadcast_in_dim3A_397 = vector.broadcast %jit3A_395 : f32 to vector<512x1024xf32>
      %select_n3A_398 = arith.select %and3A_393, %broadcast_in_dim3A_396, %broadcast_in_dim3A_397 : vector<512x1024xi1>, vector<512x1024xf32>
      %add3A_399 = arith.constant 2.048000e+03 : f32
      %add3A_400 = vector.broadcast %add3A_399 : f32 to vector<1x1024xf32>
      %add3A_401 = arith.addf %convert_element_type3A_318, %add3A_400 : vector<1x1024xf32>
      %mul3A_402 = vector.broadcast %add3A_401 : vector<1x1024xf32> to vector<512x1024xf32>
      %mul3A_403 = arith.mulf %select_n3A_398, %mul3A_402 : vector<512x1024xf32>
      %reduce_sum3A_404 = arith.constant dense<0.000000e+00> : vector<512xf32>
      %reduce_sum3A_405 = vector.multi_reduction <add>, %mul3A_403, %reduce_sum3A_404 [1] : vector<512x1024xf32> to vector<512xf32>
      %broadcast_in_dim3A_406 = vector.shape_cast %reduce_sum3A_405 : vector<512xf32> to vector<512x1xf32>
      %add3A_407 = arith.addf %add3A_376, %broadcast_in_dim3A_406 : vector<512x1xf32>
      %slice3A_408 = vector.extract_strided_slice %get3A_58 {offsets = [0, 2048], sizes = [1, 1024], strides = [1, 1]} : vector<4x4096xf32> to vector<1x1024xf32>
      %mul3A_409 = vector.broadcast %slice3A_408 : vector<1x1024xf32> to vector<512x1024xf32>
      %mul3A_410 = arith.mulf %select_n3A_398, %mul3A_409 : vector<512x1024xf32>
      %reduce_sum3A_411 = arith.constant dense<0.000000e+00> : vector<512xf32>
      %reduce_sum3A_412 = vector.multi_reduction <add>, %mul3A_410, %reduce_sum3A_411 [1] : vector<512x1024xf32> to vector<512xf32>
      %broadcast_in_dim3A_413 = vector.shape_cast %reduce_sum3A_412 : vector<512xf32> to vector<512x1xf32>
      %add3A_414 = arith.addf %add3A_383, %broadcast_in_dim3A_413 : vector<512x1xf32>
      %slice3A_415 = vector.extract_strided_slice %add3A_311 {offsets = [0, 3072], sizes = [1, 1024], strides = [1, 1]} : vector<4x4096xf32> to vector<1x1024xf32>
      %eq3A_416 = vector.broadcast %add3A_316 : vector<512x1xf32> to vector<512x1024xf32>
      %eq3A_417 = vector.broadcast %slice3A_415 : vector<1x1024xf32> to vector<512x1024xf32>
      %eq3A_418 = arith.cmpf oeq, %eq3A_416, %eq3A_417 : vector<512x1024xf32>
      %slice3A_419 = vector.extract_strided_slice %add3A_309 {offsets = [0, 3072], sizes = [1, 1024], strides = [1, 1]} : vector<4x4096xf32> to vector<1x1024xf32>
      %gt3A_420 = arith.constant 5.000000e-01 : f32
      %gt3A_421 = vector.broadcast %gt3A_420 : f32 to vector<1x1024xf32>
      %gt3A_422 = arith.cmpf ogt, %slice3A_419, %gt3A_421 : vector<1x1024xf32>
      %and3A_423 = vector.broadcast %gt3A_422 : vector<1x1024xi1> to vector<512x1024xi1>
      %and3A_424 = arith.andi %eq3A_418, %and3A_423 : vector<512x1024xi1>
      %jit3A_425 = arith.constant 1.000000e+00 : f32
      %jit3A_426 = arith.constant 0.000000e+00 : f32
      %broadcast_in_dim3A_427 = vector.broadcast %jit3A_425 : f32 to vector<512x1024xf32>
      %broadcast_in_dim3A_428 = vector.broadcast %jit3A_426 : f32 to vector<512x1024xf32>
      %select_n3A_429 = arith.select %and3A_424, %broadcast_in_dim3A_427, %broadcast_in_dim3A_428 : vector<512x1024xi1>, vector<512x1024xf32>
      %add3A_430 = arith.constant 3.072000e+03 : f32
      %add3A_431 = vector.broadcast %add3A_430 : f32 to vector<1x1024xf32>
      %add3A_432 = arith.addf %convert_element_type3A_318, %add3A_431 : vector<1x1024xf32>
      %mul3A_433 = vector.broadcast %add3A_432 : vector<1x1024xf32> to vector<512x1024xf32>
      %mul3A_434 = arith.mulf %select_n3A_429, %mul3A_433 : vector<512x1024xf32>
      %reduce_sum3A_435 = arith.constant dense<0.000000e+00> : vector<512xf32>
      %reduce_sum3A_436 = vector.multi_reduction <add>, %mul3A_434, %reduce_sum3A_435 [1] : vector<512x1024xf32> to vector<512xf32>
      %broadcast_in_dim3A_437 = vector.shape_cast %reduce_sum3A_436 : vector<512xf32> to vector<512x1xf32>
      %add3A_438 = arith.addf %add3A_407, %broadcast_in_dim3A_437 : vector<512x1xf32>
      %slice3A_439 = vector.extract_strided_slice %get3A_58 {offsets = [0, 3072], sizes = [1, 1024], strides = [1, 1]} : vector<4x4096xf32> to vector<1x1024xf32>
      %mul3A_440 = vector.broadcast %slice3A_439 : vector<1x1024xf32> to vector<512x1024xf32>
      %mul3A_441 = arith.mulf %select_n3A_429, %mul3A_440 : vector<512x1024xf32>
      %reduce_sum3A_442 = arith.constant dense<0.000000e+00> : vector<512xf32>
      %reduce_sum3A_443 = vector.multi_reduction <add>, %mul3A_441, %reduce_sum3A_442 [1] : vector<512x1024xf32> to vector<512xf32>
      %broadcast_in_dim3A_444 = vector.shape_cast %reduce_sum3A_443 : vector<512xf32> to vector<512x1xf32>
      %add3A_445 = arith.addf %add3A_414, %broadcast_in_dim3A_444 : vector<512x1xf32>
      %transpose3A = tpu.transpose %add3A_438, [1, 0] : vector<512x1xf32> -> vector<1x512xf32>
      %transpose3A_446 = tpu.transpose %add3A_445, [1, 0] : vector<512x1xf32> -> vector<1x512xf32>
      %convert_element_type3A_447 = arith.fptosi %transpose3A : vector<1x512xf32> to vector<1x512xi32>
      %add3A_448 = vector.broadcast %get3A_61 : i32 to vector<1x512xi32>
      %add3A_449 = arith.addi %convert_element_type3A_447, %add3A_448 : vector<1x512xi32>
      %swap3A_450 = arith.constant 0 : index
      %swap3A_451 = arith.constant 0 : index
      %swap3A_452 = vector.load %arg8[%swap3A_450, %swap3A_451] : memref<4x512xi32, #tpu.memory_space<vmem>>, vector<1x512xi32>
      tpu.vector_store %arg8[%swap3A_450, %swap3A_451], %add3A_449 {strides = array<i32>} : memref<4x512xi32, #tpu.memory_space<vmem>>, vector<1x512xi32>,
      %add3A_453 = arith.constant 0 : i32
      %add3A_454 = vector.broadcast %add3A_453 : i32 to vector<1x512xi32>
      %add3A_455 = arith.addi %add3A_449, %add3A_454 : vector<1x512xi32>
      %swap3A_456 = arith.constant 0 : index
      %swap3A_457 = arith.constant 0 : index
      %swap3A_458 = vector.load %arg9[%swap3A_456, %swap3A_457] : memref<4x512xi32, #tpu.memory_space<vmem>>, vector<1x512xi32>
      tpu.vector_store %arg9[%swap3A_456, %swap3A_457], %add3A_455 {strides = array<i32>} : memref<4x512xi32, #tpu.memory_space<vmem>>, vector<1x512xi32>,
      %swap3A_459 = arith.constant 0 : index
      %swap3A_460 = arith.constant 0 : index
      %swap3A_461 = vector.load %arg10[%swap3A_459, %swap3A_460] : memref<4x512xf32, #tpu.memory_space<vmem>>, vector<1x512xf32>
      tpu.vector_store %arg10[%swap3A_459, %swap3A_460], %transpose3A_446 {strides = array<i32>} : memref<4x512xf32, #tpu.memory_space<vmem>>, vector<1x512xf32>,
      %broadcast_in_dim3A_462 = arith.constant 0.000000e+00 : f32
      %broadcast_in_dim3A_463 = vector.broadcast %broadcast_in_dim3A_462 : f32 to vector<512x1xf32>
      %broadcast_in_dim3A_464 = arith.constant 0.000000e+00 : f32
      %broadcast_in_dim3A_465 = vector.broadcast %broadcast_in_dim3A_464 : f32 to vector<512x1xf32>
      %slice3A_466 = vector.extract_strided_slice %add3A_311 {offsets = [1, 0], sizes = [1, 1024], strides = [1, 1]} : vector<4x4096xf32> to vector<1x1024xf32>
      %eq3A_467 = vector.broadcast %add3A_316 : vector<512x1xf32> to vector<512x1024xf32>
      %eq3A_468 = vector.broadcast %slice3A_466 : vector<1x1024xf32> to vector<512x1024xf32>
      %eq3A_469 = arith.cmpf oeq, %eq3A_467, %eq3A_468 : vector<512x1024xf32>
      %slice3A_470 = vector.extract_strided_slice %add3A_309 {offsets = [1, 0], sizes = [1, 1024], strides = [1, 1]} : vector<4x4096xf32> to vector<1x1024xf32>
      %gt3A_471 = arith.constant 5.000000e-01 : f32
      %gt3A_472 = vector.broadcast %gt3A_471 : f32 to vector<1x1024xf32>
      %gt3A_473 = arith.cmpf ogt, %slice3A_470, %gt3A_472 : vector<1x1024xf32>
      %and3A_474 = vector.broadcast %gt3A_473 : vector<1x1024xi1> to vector<512x1024xi1>
      %and3A_475 = arith.andi %eq3A_469, %and3A_474 : vector<512x1024xi1>
      %jit3A_476 = arith.constant 1.000000e+00 : f32
      %jit3A_477 = arith.constant 0.000000e+00 : f32
      %broadcast_in_dim3A_478 = vector.broadcast %jit3A_476 : f32 to vector<512x1024xf32>
      %broadcast_in_dim3A_479 = vector.broadcast %jit3A_477 : f32 to vector<512x1024xf32>
      %select_n3A_480 = arith.select %and3A_475, %broadcast_in_dim3A_478, %broadcast_in_dim3A_479 : vector<512x1024xi1>, vector<512x1024xf32>
      %add3A_481 = arith.constant 0.000000e+00 : f32
      %add3A_482 = vector.broadcast %add3A_481 : f32 to vector<1x1024xf32>
      %add3A_483 = arith.addf %convert_element_type3A_318, %add3A_482 : vector<1x1024xf32>
      %mul3A_484 = vector.broadcast %add3A_483 : vector<1x1024xf32> to vector<512x1024xf32>
      %mul3A_485 = arith.mulf %select_n3A_480, %mul3A_484 : vector<512x1024xf32>
      %reduce_sum3A_486 = arith.constant dense<0.000000e+00> : vector<512xf32>
      %reduce_sum3A_487 = vector.multi_reduction <add>, %mul3A_485, %reduce_sum3A_486 [1] : vector<512x1024xf32> to vector<512xf32>
      %broadcast_in_dim3A_488 = vector.shape_cast %reduce_sum3A_487 : vector<512xf32> to vector<512x1xf32>
      %add3A_489 = arith.addf %broadcast_in_dim3A_463, %broadcast_in_dim3A_488 : vector<512x1xf32>
      %slice3A_490 = vector.extract_strided_slice %get3A_58 {offsets = [1, 0], sizes = [1, 1024], strides = [1, 1]} : vector<4x4096xf32> to vector<1x1024xf32>
      %mul3A_491 = vector.broadcast %slice3A_490 : vector<1x1024xf32> to vector<512x1024xf32>
      %mul3A_492 = arith.mulf %select_n3A_480, %mul3A_491 : vector<512x1024xf32>
      %reduce_sum3A_493 = arith.constant dense<0.000000e+00> : vector<512xf32>
      %reduce_sum3A_494 = vector.multi_reduction <add>, %mul3A_492, %reduce_sum3A_493 [1] : vector<512x1024xf32> to vector<512xf32>
      %broadcast_in_dim3A_495 = vector.shape_cast %reduce_sum3A_494 : vector<512xf32> to vector<512x1xf32>
      %add3A_496 = arith.addf %broadcast_in_dim3A_465, %broadcast_in_dim3A_495 : vector<512x1xf32>
      %slice3A_497 = vector.extract_strided_slice %add3A_311 {offsets = [1, 1024], sizes = [1, 1024], strides = [1, 1]} : vector<4x4096xf32> to vector<1x1024xf32>
      %eq3A_498 = vector.broadcast %add3A_316 : vector<512x1xf32> to vector<512x1024xf32>
      %eq3A_499 = vector.broadcast %slice3A_497 : vector<1x1024xf32> to vector<512x1024xf32>
      %eq3A_500 = arith.cmpf oeq, %eq3A_498, %eq3A_499 : vector<512x1024xf32>
      %slice3A_501 = vector.extract_strided_slice %add3A_309 {offsets = [1, 1024], sizes = [1, 1024], strides = [1, 1]} : vector<4x4096xf32> to vector<1x1024xf32>
      %gt3A_502 = arith.constant 5.000000e-01 : f32
      %gt3A_503 = vector.broadcast %gt3A_502 : f32 to vector<1x1024xf32>
      %gt3A_504 = arith.cmpf ogt, %slice3A_501, %gt3A_503 : vector<1x1024xf32>
      %and3A_505 = vector.broadcast %gt3A_504 : vector<1x1024xi1> to vector<512x1024xi1>
      %and3A_506 = arith.andi %eq3A_500, %and3A_505 : vector<512x1024xi1>
      %jit3A_507 = arith.constant 1.000000e+00 : f32
      %jit3A_508 = arith.constant 0.000000e+00 : f32
      %broadcast_in_dim3A_509 = vector.broadcast %jit3A_507 : f32 to vector<512x1024xf32>
      %broadcast_in_dim3A_510 = vector.broadcast %jit3A_508 : f32 to vector<512x1024xf32>
      %select_n3A_511 = arith.select %and3A_506, %broadcast_in_dim3A_509, %broadcast_in_dim3A_510 : vector<512x1024xi1>, vector<512x1024xf32>
      %add3A_512 = arith.constant 1.024000e+03 : f32
      %add3A_513 = vector.broadcast %add3A_512 : f32 to vector<1x1024xf32>
      %add3A_514 = arith.addf %convert_element_type3A_318, %add3A_513 : vector<1x1024xf32>
      %mul3A_515 = vector.broadcast %add3A_514 : vector<1x1024xf32> to vector<512x1024xf32>
      %mul3A_516 = arith.mulf %select_n3A_511, %mul3A_515 : vector<512x1024xf32>
      %reduce_sum3A_517 = arith.constant dense<0.000000e+00> : vector<512xf32>
      %reduce_sum3A_518 = vector.multi_reduction <add>, %mul3A_516, %reduce_sum3A_517 [1] : vector<512x1024xf32> to vector<512xf32>
      %broadcast_in_dim3A_519 = vector.shape_cast %reduce_sum3A_518 : vector<512xf32> to vector<512x1xf32>
      %add3A_520 = arith.addf %add3A_489, %broadcast_in_dim3A_519 : vector<512x1xf32>
      %slice3A_521 = vector.extract_strided_slice %get3A_58 {offsets = [1, 1024], sizes = [1, 1024], strides = [1, 1]} : vector<4x4096xf32> to vector<1x1024xf32>
      %mul3A_522 = vector.broadcast %slice3A_521 : vector<1x1024xf32> to vector<512x1024xf32>
      %mul3A_523 = arith.mulf %select_n3A_511, %mul3A_522 : vector<512x1024xf32>
      %reduce_sum3A_524 = arith.constant dense<0.000000e+00> : vector<512xf32>
      %reduce_sum3A_525 = vector.multi_reduction <add>, %mul3A_523, %reduce_sum3A_524 [1] : vector<512x1024xf32> to vector<512xf32>
      %broadcast_in_dim3A_526 = vector.shape_cast %reduce_sum3A_525 : vector<512xf32> to vector<512x1xf32>
      %add3A_527 = arith.addf %add3A_496, %broadcast_in_dim3A_526 : vector<512x1xf32>
      %slice3A_528 = vector.extract_strided_slice %add3A_311 {offsets = [1, 2048], sizes = [1, 1024], strides = [1, 1]} : vector<4x4096xf32> to vector<1x1024xf32>
      %eq3A_529 = vector.broadcast %add3A_316 : vector<512x1xf32> to vector<512x1024xf32>
      %eq3A_530 = vector.broadcast %slice3A_528 : vector<1x1024xf32> to vector<512x1024xf32>
      %eq3A_531 = arith.cmpf oeq, %eq3A_529, %eq3A_530 : vector<512x1024xf32>
      %slice3A_532 = vector.extract_strided_slice %add3A_309 {offsets = [1, 2048], sizes = [1, 1024], strides = [1, 1]} : vector<4x4096xf32> to vector<1x1024xf32>
      %gt3A_533 = arith.constant 5.000000e-01 : f32
      %gt3A_534 = vector.broadcast %gt3A_533 : f32 to vector<1x1024xf32>
      %gt3A_535 = arith.cmpf ogt, %slice3A_532, %gt3A_534 : vector<1x1024xf32>
      %and3A_536 = vector.broadcast %gt3A_535 : vector<1x1024xi1> to vector<512x1024xi1>
      %and3A_537 = arith.andi %eq3A_531, %and3A_536 : vector<512x1024xi1>
      %jit3A_538 = arith.constant 1.000000e+00 : f32
      %jit3A_539 = arith.constant 0.000000e+00 : f32
      %broadcast_in_dim3A_540 = vector.broadcast %jit3A_538 : f32 to vector<512x1024xf32>
      %broadcast_in_dim3A_541 = vector.broadcast %jit3A_539 : f32 to vector<512x1024xf32>
      %select_n3A_542 = arith.select %and3A_537, %broadcast_in_dim3A_540, %broadcast_in_dim3A_541 : vector<512x1024xi1>, vector<512x1024xf32>
      %add3A_543 = arith.constant 2.048000e+03 : f32
      %add3A_544 = vector.broadcast %add3A_543 : f32 to vector<1x1024xf32>
      %add3A_545 = arith.addf %convert_element_type3A_318, %add3A_544 : vector<1x1024xf32>
      %mul3A_546 = vector.broadcast %add3A_545 : vector<1x1024xf32> to vector<512x1024xf32>
      %mul3A_547 = arith.mulf %select_n3A_542, %mul3A_546 : vector<512x1024xf32>
      %reduce_sum3A_548 = arith.constant dense<0.000000e+00> : vector<512xf32>
      %reduce_sum3A_549 = vector.multi_reduction <add>, %mul3A_547, %reduce_sum3A_548 [1] : vector<512x1024xf32> to vector<512xf32>
      %broadcast_in_dim3A_550 = vector.shape_cast %reduce_sum3A_549 : vector<512xf32> to vector<512x1xf32>
      %add3A_551 = arith.addf %add3A_520, %broadcast_in_dim3A_550 : vector<512x1xf32>
      %slice3A_552 = vector.extract_strided_slice %get3A_58 {offsets = [1, 2048], sizes = [1, 1024], strides = [1, 1]} : vector<4x4096xf32> to vector<1x1024xf32>
      %mul3A_553 = vector.broadcast %slice3A_552 : vector<1x1024xf32> to vector<512x1024xf32>
      %mul3A_554 = arith.mulf %select_n3A_542, %mul3A_553 : vector<512x1024xf32>
      %reduce_sum3A_555 = arith.constant dense<0.000000e+00> : vector<512xf32>
      %reduce_sum3A_556 = vector.multi_reduction <add>, %mul3A_554, %reduce_sum3A_555 [1] : vector<512x1024xf32> to vector<512xf32>
      %broadcast_in_dim3A_557 = vector.shape_cast %reduce_sum3A_556 : vector<512xf32> to vector<512x1xf32>
      %add3A_558 = arith.addf %add3A_527, %broadcast_in_dim3A_557 : vector<512x1xf32>
      %slice3A_559 = vector.extract_strided_slice %add3A_311 {offsets = [1, 3072], sizes = [1, 1024], strides = [1, 1]} : vector<4x4096xf32> to vector<1x1024xf32>
      %eq3A_560 = vector.broadcast %add3A_316 : vector<512x1xf32> to vector<512x1024xf32>
      %eq3A_561 = vector.broadcast %slice3A_559 : vector<1x1024xf32> to vector<512x1024xf32>
      %eq3A_562 = arith.cmpf oeq, %eq3A_560, %eq3A_561 : vector<512x1024xf32>
      %slice3A_563 = vector.extract_strided_slice %add3A_309 {offsets = [1, 3072], sizes = [1, 1024], strides = [1, 1]} : vector<4x4096xf32> to vector<1x1024xf32>
      %gt3A_564 = arith.constant 5.000000e-01 : f32
      %gt3A_565 = vector.broadcast %gt3A_564 : f32 to vector<1x1024xf32>
      %gt3A_566 = arith.cmpf ogt, %slice3A_563, %gt3A_565 : vector<1x1024xf32>
      %and3A_567 = vector.broadcast %gt3A_566 : vector<1x1024xi1> to vector<512x1024xi1>
      %and3A_568 = arith.andi %eq3A_562, %and3A_567 : vector<512x1024xi1>
      %jit3A_569 = arith.constant 1.000000e+00 : f32
      %jit3A_570 = arith.constant 0.000000e+00 : f32
      %broadcast_in_dim3A_571 = vector.broadcast %jit3A_569 : f32 to vector<512x1024xf32>
      %broadcast_in_dim3A_572 = vector.broadcast %jit3A_570 : f32 to vector<512x1024xf32>
      %select_n3A_573 = arith.select %and3A_568, %broadcast_in_dim3A_571, %broadcast_in_dim3A_572 : vector<512x1024xi1>, vector<512x1024xf32>
      %add3A_574 = arith.constant 3.072000e+03 : f32
      %add3A_575 = vector.broadcast %add3A_574 : f32 to vector<1x1024xf32>
      %add3A_576 = arith.addf %convert_element_type3A_318, %add3A_575 : vector<1x1024xf32>
      %mul3A_577 = vector.broadcast %add3A_576 : vector<1x1024xf32> to vector<512x1024xf32>
      %mul3A_578 = arith.mulf %select_n3A_573, %mul3A_577 : vector<512x1024xf32>
      %reduce_sum3A_579 = arith.constant dense<0.000000e+00> : vector<512xf32>
      %reduce_sum3A_580 = vector.multi_reduction <add>, %mul3A_578, %reduce_sum3A_579 [1] : vector<512x1024xf32> to vector<512xf32>
      %broadcast_in_dim3A_581 = vector.shape_cast %reduce_sum3A_580 : vector<512xf32> to vector<512x1xf32>
      %add3A_582 = arith.addf %add3A_551, %broadcast_in_dim3A_581 : vector<512x1xf32>
      %slice3A_583 = vector.extract_strided_slice %get3A_58 {offsets = [1, 3072], sizes = [1, 1024], strides = [1, 1]} : vector<4x4096xf32> to vector<1x1024xf32>
      %mul3A_584 = vector.broadcast %slice3A_583 : vector<1x1024xf32> to vector<512x1024xf32>
      %mul3A_585 = arith.mulf %select_n3A_573, %mul3A_584 : vector<512x1024xf32>
      %reduce_sum3A_586 = arith.constant dense<0.000000e+00> : vector<512xf32>
      %reduce_sum3A_587 = vector.multi_reduction <add>, %mul3A_585, %reduce_sum3A_586 [1] : vector<512x1024xf32> to vector<512xf32>
      %broadcast_in_dim3A_588 = vector.shape_cast %reduce_sum3A_587 : vector<512xf32> to vector<512x1xf32>
      %add3A_589 = arith.addf %add3A_558, %broadcast_in_dim3A_588 : vector<512x1xf32>
      %transpose3A_590 = tpu.transpose %add3A_582, [1, 0] : vector<512x1xf32> -> vector<1x512xf32>
      %transpose3A_591 = tpu.transpose %add3A_589, [1, 0] : vector<512x1xf32> -> vector<1x512xf32>
      %convert_element_type3A_592 = arith.fptosi %transpose3A_590 : vector<1x512xf32> to vector<1x512xi32>
      %add3A_593 = vector.broadcast %get3A_61 : i32 to vector<1x512xi32>
      %add3A_594 = arith.addi %convert_element_type3A_592, %add3A_593 : vector<1x512xi32>
      %swap3A_595 = arith.constant 1 : index
      %swap3A_596 = arith.constant 0 : index
      %swap3A_597 = vector.load %arg8[%swap3A_595, %swap3A_596] : memref<4x512xi32, #tpu.memory_space<vmem>>, vector<1x512xi32>
      tpu.vector_store %arg8[%swap3A_595, %swap3A_596], %add3A_594 {strides = array<i32>} : memref<4x512xi32, #tpu.memory_space<vmem>>, vector<1x512xi32>,
      %add3A_598 = arith.constant 4096 : i32
      %add3A_599 = vector.broadcast %add3A_598 : i32 to vector<1x512xi32>
      %add3A_600 = arith.addi %add3A_594, %add3A_599 : vector<1x512xi32>
      %swap3A_601 = arith.constant 1 : index
      %swap3A_602 = arith.constant 0 : index
      %swap3A_603 = vector.load %arg9[%swap3A_601, %swap3A_602] : memref<4x512xi32, #tpu.memory_space<vmem>>, vector<1x512xi32>
      tpu.vector_store %arg9[%swap3A_601, %swap3A_602], %add3A_600 {strides = array<i32>} : memref<4x512xi32, #tpu.memory_space<vmem>>, vector<1x512xi32>,
      %swap3A_604 = arith.constant 1 : index
      %swap3A_605 = arith.constant 0 : index
      %swap3A_606 = vector.load %arg10[%swap3A_604, %swap3A_605] : memref<4x512xf32, #tpu.memory_space<vmem>>, vector<1x512xf32>
      tpu.vector_store %arg10[%swap3A_604, %swap3A_605], %transpose3A_591 {strides = array<i32>} : memref<4x512xf32, #tpu.memory_space<vmem>>, vector<1x512xf32>,
      %broadcast_in_dim3A_607 = arith.constant 0.000000e+00 : f32
      %broadcast_in_dim3A_608 = vector.broadcast %broadcast_in_dim3A_607 : f32 to vector<512x1xf32>
      %broadcast_in_dim3A_609 = arith.constant 0.000000e+00 : f32
      %broadcast_in_dim3A_610 = vector.broadcast %broadcast_in_dim3A_609 : f32 to vector<512x1xf32>
      %slice3A_611 = vector.extract_strided_slice %add3A_311 {offsets = [2, 0], sizes = [1, 1024], strides = [1, 1]} : vector<4x4096xf32> to vector<1x1024xf32>
      %eq3A_612 = vector.broadcast %add3A_316 : vector<512x1xf32> to vector<512x1024xf32>
      %eq3A_613 = vector.broadcast %slice3A_611 : vector<1x1024xf32> to vector<512x1024xf32>
      %eq3A_614 = arith.cmpf oeq, %eq3A_612, %eq3A_613 : vector<512x1024xf32>
      %slice3A_615 = vector.extract_strided_slice %add3A_309 {offsets = [2, 0], sizes = [1, 1024], strides = [1, 1]} : vector<4x4096xf32> to vector<1x1024xf32>
      %gt3A_616 = arith.constant 5.000000e-01 : f32
      %gt3A_617 = vector.broadcast %gt3A_616 : f32 to vector<1x1024xf32>
      %gt3A_618 = arith.cmpf ogt, %slice3A_615, %gt3A_617 : vector<1x1024xf32>
      %and3A_619 = vector.broadcast %gt3A_618 : vector<1x1024xi1> to vector<512x1024xi1>
      %and3A_620 = arith.andi %eq3A_614, %and3A_619 : vector<512x1024xi1>
      %jit3A_621 = arith.constant 1.000000e+00 : f32
      %jit3A_622 = arith.constant 0.000000e+00 : f32
      %broadcast_in_dim3A_623 = vector.broadcast %jit3A_621 : f32 to vector<512x1024xf32>
      %broadcast_in_dim3A_624 = vector.broadcast %jit3A_622 : f32 to vector<512x1024xf32>
      %select_n3A_625 = arith.select %and3A_620, %broadcast_in_dim3A_623, %broadcast_in_dim3A_624 : vector<512x1024xi1>, vector<512x1024xf32>
      %add3A_626 = arith.constant 0.000000e+00 : f32
      %add3A_627 = vector.broadcast %add3A_626 : f32 to vector<1x1024xf32>
      %add3A_628 = arith.addf %convert_element_type3A_318, %add3A_627 : vector<1x1024xf32>
      %mul3A_629 = vector.broadcast %add3A_628 : vector<1x1024xf32> to vector<512x1024xf32>
      %mul3A_630 = arith.mulf %select_n3A_625, %mul3A_629 : vector<512x1024xf32>
      %reduce_sum3A_631 = arith.constant dense<0.000000e+00> : vector<512xf32>
      %reduce_sum3A_632 = vector.multi_reduction <add>, %mul3A_630, %reduce_sum3A_631 [1] : vector<512x1024xf32> to vector<512xf32>
      %broadcast_in_dim3A_633 = vector.shape_cast %reduce_sum3A_632 : vector<512xf32> to vector<512x1xf32>
      %add3A_634 = arith.addf %broadcast_in_dim3A_608, %broadcast_in_dim3A_633 : vector<512x1xf32>
      %slice3A_635 = vector.extract_strided_slice %get3A_58 {offsets = [2, 0], sizes = [1, 1024], strides = [1, 1]} : vector<4x4096xf32> to vector<1x1024xf32>
      %mul3A_636 = vector.broadcast %slice3A_635 : vector<1x1024xf32> to vector<512x1024xf32>
      %mul3A_637 = arith.mulf %select_n3A_625, %mul3A_636 : vector<512x1024xf32>
      %reduce_sum3A_638 = arith.constant dense<0.000000e+00> : vector<512xf32>
      %reduce_sum3A_639 = vector.multi_reduction <add>, %mul3A_637, %reduce_sum3A_638 [1] : vector<512x1024xf32> to vector<512xf32>
      %broadcast_in_dim3A_640 = vector.shape_cast %reduce_sum3A_639 : vector<512xf32> to vector<512x1xf32>
      %add3A_641 = arith.addf %broadcast_in_dim3A_610, %broadcast_in_dim3A_640 : vector<512x1xf32>
      %slice3A_642 = vector.extract_strided_slice %add3A_311 {offsets = [2, 1024], sizes = [1, 1024], strides = [1, 1]} : vector<4x4096xf32> to vector<1x1024xf32>
      %eq3A_643 = vector.broadcast %add3A_316 : vector<512x1xf32> to vector<512x1024xf32>
      %eq3A_644 = vector.broadcast %slice3A_642 : vector<1x1024xf32> to vector<512x1024xf32>
      %eq3A_645 = arith.cmpf oeq, %eq3A_643, %eq3A_644 : vector<512x1024xf32>
      %slice3A_646 = vector.extract_strided_slice %add3A_309 {offsets = [2, 1024], sizes = [1, 1024], strides = [1, 1]} : vector<4x4096xf32> to vector<1x1024xf32>
      %gt3A_647 = arith.constant 5.000000e-01 : f32
      %gt3A_648 = vector.broadcast %gt3A_647 : f32 to vector<1x1024xf32>
      %gt3A_649 = arith.cmpf ogt, %slice3A_646, %gt3A_648 : vector<1x1024xf32>
      %and3A_650 = vector.broadcast %gt3A_649 : vector<1x1024xi1> to vector<512x1024xi1>
      %and3A_651 = arith.andi %eq3A_645, %and3A_650 : vector<512x1024xi1>
      %jit3A_652 = arith.constant 1.000000e+00 : f32
      %jit3A_653 = arith.constant 0.000000e+00 : f32
      %broadcast_in_dim3A_654 = vector.broadcast %jit3A_652 : f32 to vector<512x1024xf32>
      %broadcast_in_dim3A_655 = vector.broadcast %jit3A_653 : f32 to vector<512x1024xf32>
      %select_n3A_656 = arith.select %and3A_651, %broadcast_in_dim3A_654, %broadcast_in_dim3A_655 : vector<512x1024xi1>, vector<512x1024xf32>
      %add3A_657 = arith.constant 1.024000e+03 : f32
      %add3A_658 = vector.broadcast %add3A_657 : f32 to vector<1x1024xf32>
      %add3A_659 = arith.addf %convert_element_type3A_318, %add3A_658 : vector<1x1024xf32>
      %mul3A_660 = vector.broadcast %add3A_659 : vector<1x1024xf32> to vector<512x1024xf32>
      %mul3A_661 = arith.mulf %select_n3A_656, %mul3A_660 : vector<512x1024xf32>
      %reduce_sum3A_662 = arith.constant dense<0.000000e+00> : vector<512xf32>
      %reduce_sum3A_663 = vector.multi_reduction <add>, %mul3A_661, %reduce_sum3A_662 [1] : vector<512x1024xf32> to vector<512xf32>
      %broadcast_in_dim3A_664 = vector.shape_cast %reduce_sum3A_663 : vector<512xf32> to vector<512x1xf32>
      %add3A_665 = arith.addf %add3A_634, %broadcast_in_dim3A_664 : vector<512x1xf32>
      %slice3A_666 = vector.extract_strided_slice %get3A_58 {offsets = [2, 1024], sizes = [1, 1024], strides = [1, 1]} : vector<4x4096xf32> to vector<1x1024xf32>
      %mul3A_667 = vector.broadcast %slice3A_666 : vector<1x1024xf32> to vector<512x1024xf32>
      %mul3A_668 = arith.mulf %select_n3A_656, %mul3A_667 : vector<512x1024xf32>
      %reduce_sum3A_669 = arith.constant dense<0.000000e+00> : vector<512xf32>
      %reduce_sum3A_670 = vector.multi_reduction <add>, %mul3A_668, %reduce_sum3A_669 [1] : vector<512x1024xf32> to vector<512xf32>
      %broadcast_in_dim3A_671 = vector.shape_cast %reduce_sum3A_670 : vector<512xf32> to vector<512x1xf32>
      %add3A_672 = arith.addf %add3A_641, %broadcast_in_dim3A_671 : vector<512x1xf32>
      %slice3A_673 = vector.extract_strided_slice %add3A_311 {offsets = [2, 2048], sizes = [1, 1024], strides = [1, 1]} : vector<4x4096xf32> to vector<1x1024xf32>
      %eq3A_674 = vector.broadcast %add3A_316 : vector<512x1xf32> to vector<512x1024xf32>
      %eq3A_675 = vector.broadcast %slice3A_673 : vector<1x1024xf32> to vector<512x1024xf32>
      %eq3A_676 = arith.cmpf oeq, %eq3A_674, %eq3A_675 : vector<512x1024xf32>
      %slice3A_677 = vector.extract_strided_slice %add3A_309 {offsets = [2, 2048], sizes = [1, 1024], strides = [1, 1]} : vector<4x4096xf32> to vector<1x1024xf32>
      %gt3A_678 = arith.constant 5.000000e-01 : f32
      %gt3A_679 = vector.broadcast %gt3A_678 : f32 to vector<1x1024xf32>
      %gt3A_680 = arith.cmpf ogt, %slice3A_677, %gt3A_679 : vector<1x1024xf32>
      %and3A_681 = vector.broadcast %gt3A_680 : vector<1x1024xi1> to vector<512x1024xi1>
      %and3A_682 = arith.andi %eq3A_676, %and3A_681 : vector<512x1024xi1>
      %jit3A_683 = arith.constant 1.000000e+00 : f32
      %jit3A_684 = arith.constant 0.000000e+00 : f32
      %broadcast_in_dim3A_685 = vector.broadcast %jit3A_683 : f32 to vector<512x1024xf32>
      %broadcast_in_dim3A_686 = vector.broadcast %jit3A_684 : f32 to vector<512x1024xf32>
      %select_n3A_687 = arith.select %and3A_682, %broadcast_in_dim3A_685, %broadcast_in_dim3A_686 : vector<512x1024xi1>, vector<512x1024xf32>
      %add3A_688 = arith.constant 2.048000e+03 : f32
      %add3A_689 = vector.broadcast %add3A_688 : f32 to vector<1x1024xf32>
      %add3A_690 = arith.addf %convert_element_type3A_318, %add3A_689 : vector<1x1024xf32>
      %mul3A_691 = vector.broadcast %add3A_690 : vector<1x1024xf32> to vector<512x1024xf32>
      %mul3A_692 = arith.mulf %select_n3A_687, %mul3A_691 : vector<512x1024xf32>
      %reduce_sum3A_693 = arith.constant dense<0.000000e+00> : vector<512xf32>
      %reduce_sum3A_694 = vector.multi_reduction <add>, %mul3A_692, %reduce_sum3A_693 [1] : vector<512x1024xf32> to vector<512xf32>
      %broadcast_in_dim3A_695 = vector.shape_cast %reduce_sum3A_694 : vector<512xf32> to vector<512x1xf32>
      %add3A_696 = arith.addf %add3A_665, %broadcast_in_dim3A_695 : vector<512x1xf32>
      %slice3A_697 = vector.extract_strided_slice %get3A_58 {offsets = [2, 2048], sizes = [1, 1024], strides = [1, 1]} : vector<4x4096xf32> to vector<1x1024xf32>
      %mul3A_698 = vector.broadcast %slice3A_697 : vector<1x1024xf32> to vector<512x1024xf32>
      %mul3A_699 = arith.mulf %select_n3A_687, %mul3A_698 : vector<512x1024xf32>
      %reduce_sum3A_700 = arith.constant dense<0.000000e+00> : vector<512xf32>
      %reduce_sum3A_701 = vector.multi_reduction <add>, %mul3A_699, %reduce_sum3A_700 [1] : vector<512x1024xf32> to vector<512xf32>
      %broadcast_in_dim3A_702 = vector.shape_cast %reduce_sum3A_701 : vector<512xf32> to vector<512x1xf32>
      %add3A_703 = arith.addf %add3A_672, %broadcast_in_dim3A_702 : vector<512x1xf32>
      %slice3A_704 = vector.extract_strided_slice %add3A_311 {offsets = [2, 3072], sizes = [1, 1024], strides = [1, 1]} : vector<4x4096xf32> to vector<1x1024xf32>
      %eq3A_705 = vector.broadcast %add3A_316 : vector<512x1xf32> to vector<512x1024xf32>
      %eq3A_706 = vector.broadcast %slice3A_704 : vector<1x1024xf32> to vector<512x1024xf32>
      %eq3A_707 = arith.cmpf oeq, %eq3A_705, %eq3A_706 : vector<512x1024xf32>
      %slice3A_708 = vector.extract_strided_slice %add3A_309 {offsets = [2, 3072], sizes = [1, 1024], strides = [1, 1]} : vector<4x4096xf32> to vector<1x1024xf32>
      %gt3A_709 = arith.constant 5.000000e-01 : f32
      %gt3A_710 = vector.broadcast %gt3A_709 : f32 to vector<1x1024xf32>
      %gt3A_711 = arith.cmpf ogt, %slice3A_708, %gt3A_710 : vector<1x1024xf32>
      %and3A_712 = vector.broadcast %gt3A_711 : vector<1x1024xi1> to vector<512x1024xi1>
      %and3A_713 = arith.andi %eq3A_707, %and3A_712 : vector<512x1024xi1>
      %jit3A_714 = arith.constant 1.000000e+00 : f32
      %jit3A_715 = arith.constant 0.000000e+00 : f32
      %broadcast_in_dim3A_716 = vector.broadcast %jit3A_714 : f32 to vector<512x1024xf32>
      %broadcast_in_dim3A_717 = vector.broadcast %jit3A_715 : f32 to vector<512x1024xf32>
      %select_n3A_718 = arith.select %and3A_713, %broadcast_in_dim3A_716, %broadcast_in_dim3A_717 : vector<512x1024xi1>, vector<512x1024xf32>
      %add3A_719 = arith.constant 3.072000e+03 : f32
      %add3A_720 = vector.broadcast %add3A_719 : f32 to vector<1x1024xf32>
      %add3A_721 = arith.addf %convert_element_type3A_318, %add3A_720 : vector<1x1024xf32>
      %mul3A_722 = vector.broadcast %add3A_721 : vector<1x1024xf32> to vector<512x1024xf32>
      %mul3A_723 = arith.mulf %select_n3A_718, %mul3A_722 : vector<512x1024xf32>
      %reduce_sum3A_724 = arith.constant dense<0.000000e+00> : vector<512xf32>
      %reduce_sum3A_725 = vector.multi_reduction <add>, %mul3A_723, %reduce_sum3A_724 [1] : vector<512x1024xf32> to vector<512xf32>
      %broadcast_in_dim3A_726 = vector.shape_cast %reduce_sum3A_725 : vector<512xf32> to vector<512x1xf32>
      %add3A_727 = arith.addf %add3A_696, %broadcast_in_dim3A_726 : vector<512x1xf32>
      %slice3A_728 = vector.extract_strided_slice %get3A_58 {offsets = [2, 3072], sizes = [1, 1024], strides = [1, 1]} : vector<4x4096xf32> to vector<1x1024xf32>
      %mul3A_729 = vector.broadcast %slice3A_728 : vector<1x1024xf32> to vector<512x1024xf32>
      %mul3A_730 = arith.mulf %select_n3A_718, %mul3A_729 : vector<512x1024xf32>
      %reduce_sum3A_731 = arith.constant dense<0.000000e+00> : vector<512xf32>
      %reduce_sum3A_732 = vector.multi_reduction <add>, %mul3A_730, %reduce_sum3A_731 [1] : vector<512x1024xf32> to vector<512xf32>
      %broadcast_in_dim3A_733 = vector.shape_cast %reduce_sum3A_732 : vector<512xf32> to vector<512x1xf32>
      %add3A_734 = arith.addf %add3A_703, %broadcast_in_dim3A_733 : vector<512x1xf32>
      %transpose3A_735 = tpu.transpose %add3A_727, [1, 0] : vector<512x1xf32> -> vector<1x512xf32>
      %transpose3A_736 = tpu.transpose %add3A_734, [1, 0] : vector<512x1xf32> -> vector<1x512xf32>
      %convert_element_type3A_737 = arith.fptosi %transpose3A_735 : vector<1x512xf32> to vector<1x512xi32>
      %add3A_738 = vector.broadcast %get3A_61 : i32 to vector<1x512xi32>
      %add3A_739 = arith.addi %convert_element_type3A_737, %add3A_738 : vector<1x512xi32>
      %swap3A_740 = arith.constant 2 : index
      %swap3A_741 = arith.constant 0 : index
      %swap3A_742 = vector.load %arg8[%swap3A_740, %swap3A_741] : memref<4x512xi32, #tpu.memory_space<vmem>>, vector<1x512xi32>
      tpu.vector_store %arg8[%swap3A_740, %swap3A_741], %add3A_739 {strides = array<i32>} : memref<4x512xi32, #tpu.memory_space<vmem>>, vector<1x512xi32>,
      %add3A_743 = arith.constant 8192 : i32
      %add3A_744 = vector.broadcast %add3A_743 : i32 to vector<1x512xi32>
      %add3A_745 = arith.addi %add3A_739, %add3A_744 : vector<1x512xi32>
      %swap3A_746 = arith.constant 2 : index
      %swap3A_747 = arith.constant 0 : index
      %swap3A_748 = vector.load %arg9[%swap3A_746, %swap3A_747] : memref<4x512xi32, #tpu.memory_space<vmem>>, vector<1x512xi32>
      tpu.vector_store %arg9[%swap3A_746, %swap3A_747], %add3A_745 {strides = array<i32>} : memref<4x512xi32, #tpu.memory_space<vmem>>, vector<1x512xi32>,
      %swap3A_749 = arith.constant 2 : index
      %swap3A_750 = arith.constant 0 : index
      %swap3A_751 = vector.load %arg10[%swap3A_749, %swap3A_750] : memref<4x512xf32, #tpu.memory_space<vmem>>, vector<1x512xf32>
      tpu.vector_store %arg10[%swap3A_749, %swap3A_750], %transpose3A_736 {strides = array<i32>} : memref<4x512xf32, #tpu.memory_space<vmem>>, vector<1x512xf32>,
      %broadcast_in_dim3A_752 = arith.constant 0.000000e+00 : f32
      %broadcast_in_dim3A_753 = vector.broadcast %broadcast_in_dim3A_752 : f32 to vector<512x1xf32>
      %broadcast_in_dim3A_754 = arith.constant 0.000000e+00 : f32
      %broadcast_in_dim3A_755 = vector.broadcast %broadcast_in_dim3A_754 : f32 to vector<512x1xf32>
      %slice3A_756 = vector.extract_strided_slice %add3A_311 {offsets = [3, 0], sizes = [1, 1024], strides = [1, 1]} : vector<4x4096xf32> to vector<1x1024xf32>
      %eq3A_757 = vector.broadcast %add3A_316 : vector<512x1xf32> to vector<512x1024xf32>
      %eq3A_758 = vector.broadcast %slice3A_756 : vector<1x1024xf32> to vector<512x1024xf32>
      %eq3A_759 = arith.cmpf oeq, %eq3A_757, %eq3A_758 : vector<512x1024xf32>
      %slice3A_760 = vector.extract_strided_slice %add3A_309 {offsets = [3, 0], sizes = [1, 1024], strides = [1, 1]} : vector<4x4096xf32> to vector<1x1024xf32>
      %gt3A_761 = arith.constant 5.000000e-01 : f32
      %gt3A_762 = vector.broadcast %gt3A_761 : f32 to vector<1x1024xf32>
      %gt3A_763 = arith.cmpf ogt, %slice3A_760, %gt3A_762 : vector<1x1024xf32>
      %and3A_764 = vector.broadcast %gt3A_763 : vector<1x1024xi1> to vector<512x1024xi1>
      %and3A_765 = arith.andi %eq3A_759, %and3A_764 : vector<512x1024xi1>
      %jit3A_766 = arith.constant 1.000000e+00 : f32
      %jit3A_767 = arith.constant 0.000000e+00 : f32
      %broadcast_in_dim3A_768 = vector.broadcast %jit3A_766 : f32 to vector<512x1024xf32>
      %broadcast_in_dim3A_769 = vector.broadcast %jit3A_767 : f32 to vector<512x1024xf32>
      %select_n3A_770 = arith.select %and3A_765, %broadcast_in_dim3A_768, %broadcast_in_dim3A_769 : vector<512x1024xi1>, vector<512x1024xf32>
      %add3A_771 = arith.constant 0.000000e+00 : f32
      %add3A_772 = vector.broadcast %add3A_771 : f32 to vector<1x1024xf32>
      %add3A_773 = arith.addf %convert_element_type3A_318, %add3A_772 : vector<1x1024xf32>
      %mul3A_774 = vector.broadcast %add3A_773 : vector<1x1024xf32> to vector<512x1024xf32>
      %mul3A_775 = arith.mulf %select_n3A_770, %mul3A_774 : vector<512x1024xf32>
      %reduce_sum3A_776 = arith.constant dense<0.000000e+00> : vector<512xf32>
      %reduce_sum3A_777 = vector.multi_reduction <add>, %mul3A_775, %reduce_sum3A_776 [1] : vector<512x1024xf32> to vector<512xf32>
      %broadcast_in_dim3A_778 = vector.shape_cast %reduce_sum3A_777 : vector<512xf32> to vector<512x1xf32>
      %add3A_779 = arith.addf %broadcast_in_dim3A_753, %broadcast_in_dim3A_778 : vector<512x1xf32>
      %slice3A_780 = vector.extract_strided_slice %get3A_58 {offsets = [3, 0], sizes = [1, 1024], strides = [1, 1]} : vector<4x4096xf32> to vector<1x1024xf32>
      %mul3A_781 = vector.broadcast %slice3A_780 : vector<1x1024xf32> to vector<512x1024xf32>
      %mul3A_782 = arith.mulf %select_n3A_770, %mul3A_781 : vector<512x1024xf32>
      %reduce_sum3A_783 = arith.constant dense<0.000000e+00> : vector<512xf32>
      %reduce_sum3A_784 = vector.multi_reduction <add>, %mul3A_782, %reduce_sum3A_783 [1] : vector<512x1024xf32> to vector<512xf32>
      %broadcast_in_dim3A_785 = vector.shape_cast %reduce_sum3A_784 : vector<512xf32> to vector<512x1xf32>
      %add3A_786 = arith.addf %broadcast_in_dim3A_755, %broadcast_in_dim3A_785 : vector<512x1xf32>
      %slice3A_787 = vector.extract_strided_slice %add3A_311 {offsets = [3, 1024], sizes = [1, 1024], strides = [1, 1]} : vector<4x4096xf32> to vector<1x1024xf32>
      %eq3A_788 = vector.broadcast %add3A_316 : vector<512x1xf32> to vector<512x1024xf32>
      %eq3A_789 = vector.broadcast %slice3A_787 : vector<1x1024xf32> to vector<512x1024xf32>
      %eq3A_790 = arith.cmpf oeq, %eq3A_788, %eq3A_789 : vector<512x1024xf32>
      %slice3A_791 = vector.extract_strided_slice %add3A_309 {offsets = [3, 1024], sizes = [1, 1024], strides = [1, 1]} : vector<4x4096xf32> to vector<1x1024xf32>
      %gt3A_792 = arith.constant 5.000000e-01 : f32
      %gt3A_793 = vector.broadcast %gt3A_792 : f32 to vector<1x1024xf32>
      %gt3A_794 = arith.cmpf ogt, %slice3A_791, %gt3A_793 : vector<1x1024xf32>
      %and3A_795 = vector.broadcast %gt3A_794 : vector<1x1024xi1> to vector<512x1024xi1>
      %and3A_796 = arith.andi %eq3A_790, %and3A_795 : vector<512x1024xi1>
      %jit3A_797 = arith.constant 1.000000e+00 : f32
      %jit3A_798 = arith.constant 0.000000e+00 : f32
      %broadcast_in_dim3A_799 = vector.broadcast %jit3A_797 : f32 to vector<512x1024xf32>
      %broadcast_in_dim3A_800 = vector.broadcast %jit3A_798 : f32 to vector<512x1024xf32>
      %select_n3A_801 = arith.select %and3A_796, %broadcast_in_dim3A_799, %broadcast_in_dim3A_800 : vector<512x1024xi1>, vector<512x1024xf32>
      %add3A_802 = arith.constant 1.024000e+03 : f32
      %add3A_803 = vector.broadcast %add3A_802 : f32 to vector<1x1024xf32>
      %add3A_804 = arith.addf %convert_element_type3A_318, %add3A_803 : vector<1x1024xf32>
      %mul3A_805 = vector.broadcast %add3A_804 : vector<1x1024xf32> to vector<512x1024xf32>
      %mul3A_806 = arith.mulf %select_n3A_801, %mul3A_805 : vector<512x1024xf32>
      %reduce_sum3A_807 = arith.constant dense<0.000000e+00> : vector<512xf32>
      %reduce_sum3A_808 = vector.multi_reduction <add>, %mul3A_806, %reduce_sum3A_807 [1] : vector<512x1024xf32> to vector<512xf32>
      %broadcast_in_dim3A_809 = vector.shape_cast %reduce_sum3A_808 : vector<512xf32> to vector<512x1xf32>
      %add3A_810 = arith.addf %add3A_779, %broadcast_in_dim3A_809 : vector<512x1xf32>
      %slice3A_811 = vector.extract_strided_slice %get3A_58 {offsets = [3, 1024], sizes = [1, 1024], strides = [1, 1]} : vector<4x4096xf32> to vector<1x1024xf32>
      %mul3A_812 = vector.broadcast %slice3A_811 : vector<1x1024xf32> to vector<512x1024xf32>
      %mul3A_813 = arith.mulf %select_n3A_801, %mul3A_812 : vector<512x1024xf32>
      %reduce_sum3A_814 = arith.constant dense<0.000000e+00> : vector<512xf32>
      %reduce_sum3A_815 = vector.multi_reduction <add>, %mul3A_813, %reduce_sum3A_814 [1] : vector<512x1024xf32> to vector<512xf32>
      %broadcast_in_dim3A_816 = vector.shape_cast %reduce_sum3A_815 : vector<512xf32> to vector<512x1xf32>
      %add3A_817 = arith.addf %add3A_786, %broadcast_in_dim3A_816 : vector<512x1xf32>
      %slice3A_818 = vector.extract_strided_slice %add3A_311 {offsets = [3, 2048], sizes = [1, 1024], strides = [1, 1]} : vector<4x4096xf32> to vector<1x1024xf32>
      %eq3A_819 = vector.broadcast %add3A_316 : vector<512x1xf32> to vector<512x1024xf32>
      %eq3A_820 = vector.broadcast %slice3A_818 : vector<1x1024xf32> to vector<512x1024xf32>
      %eq3A_821 = arith.cmpf oeq, %eq3A_819, %eq3A_820 : vector<512x1024xf32>
      %slice3A_822 = vector.extract_strided_slice %add3A_309 {offsets = [3, 2048], sizes = [1, 1024], strides = [1, 1]} : vector<4x4096xf32> to vector<1x1024xf32>
      %gt3A_823 = arith.constant 5.000000e-01 : f32
      %gt3A_824 = vector.broadcast %gt3A_823 : f32 to vector<1x1024xf32>
      %gt3A_825 = arith.cmpf ogt, %slice3A_822, %gt3A_824 : vector<1x1024xf32>
      %and3A_826 = vector.broadcast %gt3A_825 : vector<1x1024xi1> to vector<512x1024xi1>
      %and3A_827 = arith.andi %eq3A_821, %and3A_826 : vector<512x1024xi1>
      %jit3A_828 = arith.constant 1.000000e+00 : f32
      %jit3A_829 = arith.constant 0.000000e+00 : f32
      %broadcast_in_dim3A_830 = vector.broadcast %jit3A_828 : f32 to vector<512x1024xf32>
      %broadcast_in_dim3A_831 = vector.broadcast %jit3A_829 : f32 to vector<512x1024xf32>
      %select_n3A_832 = arith.select %and3A_827, %broadcast_in_dim3A_830, %broadcast_in_dim3A_831 : vector<512x1024xi1>, vector<512x1024xf32>
      %add3A_833 = arith.constant 2.048000e+03 : f32
      %add3A_834 = vector.broadcast %add3A_833 : f32 to vector<1x1024xf32>
      %add3A_835 = arith.addf %convert_element_type3A_318, %add3A_834 : vector<1x1024xf32>
      %mul3A_836 = vector.broadcast %add3A_835 : vector<1x1024xf32> to vector<512x1024xf32>
      %mul3A_837 = arith.mulf %select_n3A_832, %mul3A_836 : vector<512x1024xf32>
      %reduce_sum3A_838 = arith.constant dense<0.000000e+00> : vector<512xf32>
      %reduce_sum3A_839 = vector.multi_reduction <add>, %mul3A_837, %reduce_sum3A_838 [1] : vector<512x1024xf32> to vector<512xf32>
      %broadcast_in_dim3A_840 = vector.shape_cast %reduce_sum3A_839 : vector<512xf32> to vector<512x1xf32>
      %add3A_841 = arith.addf %add3A_810, %broadcast_in_dim3A_840 : vector<512x1xf32>
      %slice3A_842 = vector.extract_strided_slice %get3A_58 {offsets = [3, 2048], sizes = [1, 1024], strides = [1, 1]} : vector<4x4096xf32> to vector<1x1024xf32>
      %mul3A_843 = vector.broadcast %slice3A_842 : vector<1x1024xf32> to vector<512x1024xf32>
      %mul3A_844 = arith.mulf %select_n3A_832, %mul3A_843 : vector<512x1024xf32>
      %reduce_sum3A_845 = arith.constant dense<0.000000e+00> : vector<512xf32>
      %reduce_sum3A_846 = vector.multi_reduction <add>, %mul3A_844, %reduce_sum3A_845 [1] : vector<512x1024xf32> to vector<512xf32>
      %broadcast_in_dim3A_847 = vector.shape_cast %reduce_sum3A_846 : vector<512xf32> to vector<512x1xf32>
      %add3A_848 = arith.addf %add3A_817, %broadcast_in_dim3A_847 : vector<512x1xf32>
      %slice3A_849 = vector.extract_strided_slice %add3A_311 {offsets = [3, 3072], sizes = [1, 1024], strides = [1, 1]} : vector<4x4096xf32> to vector<1x1024xf32>
      %eq3A_850 = vector.broadcast %add3A_316 : vector<512x1xf32> to vector<512x1024xf32>
      %eq3A_851 = vector.broadcast %slice3A_849 : vector<1x1024xf32> to vector<512x1024xf32>
      %eq3A_852 = arith.cmpf oeq, %eq3A_850, %eq3A_851 : vector<512x1024xf32>
      %slice3A_853 = vector.extract_strided_slice %add3A_309 {offsets = [3, 3072], sizes = [1, 1024], strides = [1, 1]} : vector<4x4096xf32> to vector<1x1024xf32>
      %gt3A_854 = arith.constant 5.000000e-01 : f32
      %gt3A_855 = vector.broadcast %gt3A_854 : f32 to vector<1x1024xf32>
      %gt3A_856 = arith.cmpf ogt, %slice3A_853, %gt3A_855 : vector<1x1024xf32>
      %and3A_857 = vector.broadcast %gt3A_856 : vector<1x1024xi1> to vector<512x1024xi1>
      %and3A_858 = arith.andi %eq3A_852, %and3A_857 : vector<512x1024xi1>
      %jit3A_859 = arith.constant 1.000000e+00 : f32
      %jit3A_860 = arith.constant 0.000000e+00 : f32
      %broadcast_in_dim3A_861 = vector.broadcast %jit3A_859 : f32 to vector<512x1024xf32>
      %broadcast_in_dim3A_862 = vector.broadcast %jit3A_860 : f32 to vector<512x1024xf32>
      %select_n3A_863 = arith.select %and3A_858, %broadcast_in_dim3A_861, %broadcast_in_dim3A_862 : vector<512x1024xi1>, vector<512x1024xf32>
      %add3A_864 = arith.constant 3.072000e+03 : f32
      %add3A_865 = vector.broadcast %add3A_864 : f32 to vector<1x1024xf32>
      %add3A_866 = arith.addf %convert_element_type3A_318, %add3A_865 : vector<1x1024xf32>
      %mul3A_867 = vector.broadcast %add3A_866 : vector<1x1024xf32> to vector<512x1024xf32>
      %mul3A_868 = arith.mulf %select_n3A_863, %mul3A_867 : vector<512x1024xf32>
      %reduce_sum3A_869 = arith.constant dense<0.000000e+00> : vector<512xf32>
      %reduce_sum3A_870 = vector.multi_reduction <add>, %mul3A_868, %reduce_sum3A_869 [1] : vector<512x1024xf32> to vector<512xf32>
      %broadcast_in_dim3A_871 = vector.shape_cast %reduce_sum3A_870 : vector<512xf32> to vector<512x1xf32>
      %add3A_872 = arith.addf %add3A_841, %broadcast_in_dim3A_871 : vector<512x1xf32>
      %slice3A_873 = vector.extract_strided_slice %get3A_58 {offsets = [3, 3072], sizes = [1, 1024], strides = [1, 1]} : vector<4x4096xf32> to vector<1x1024xf32>
      %mul3A_874 = vector.broadcast %slice3A_873 : vector<1x1024xf32> to vector<512x1024xf32>
      %mul3A_875 = arith.mulf %select_n3A_863, %mul3A_874 : vector<512x1024xf32>
      %reduce_sum3A_876 = arith.constant dense<0.000000e+00> : vector<512xf32>
      %reduce_sum3A_877 = vector.multi_reduction <add>, %mul3A_875, %reduce_sum3A_876 [1] : vector<512x1024xf32> to vector<512xf32>
      %broadcast_in_dim3A_878 = vector.shape_cast %reduce_sum3A_877 : vector<512xf32> to vector<512x1xf32>
      %add3A_879 = arith.addf %add3A_848, %broadcast_in_dim3A_878 : vector<512x1xf32>
      %transpose3A_880 = tpu.transpose %add3A_872, [1, 0] : vector<512x1xf32> -> vector<1x512xf32>
      %transpose3A_881 = tpu.transpose %add3A_879, [1, 0] : vector<512x1xf32> -> vector<1x512xf32>
      %convert_element_type3A_882 = arith.fptosi %transpose3A_880 : vector<1x512xf32> to vector<1x512xi32>
      %add3A_883 = vector.broadcast %get3A_61 : i32 to vector<1x512xi32>
      %add3A_884 = arith.addi %convert_element_type3A_882, %add3A_883 : vector<1x512xi32>
      %swap3A_885 = arith.constant 3 : index
      %swap3A_886 = arith.constant 0 : index
      %swap3A_887 = vector.load %arg8[%swap3A_885, %swap3A_886] : memref<4x512xi32, #tpu.memory_space<vmem>>, vector<1x512xi32>
      tpu.vector_store %arg8[%swap3A_885, %swap3A_886], %add3A_884 {strides = array<i32>} : memref<4x512xi32, #tpu.memory_space<vmem>>, vector<1x512xi32>,
      %add3A_888 = arith.constant 12288 : i32
      %add3A_889 = vector.broadcast %add3A_888 : i32 to vector<1x512xi32>
      %add3A_890 = arith.addi %add3A_884, %add3A_889 : vector<1x512xi32>
      %swap3A_891 = arith.constant 3 : index
      %swap3A_892 = arith.constant 0 : index
      %swap3A_893 = vector.load %arg9[%swap3A_891, %swap3A_892] : memref<4x512xi32, #tpu.memory_space<vmem>>, vector<1x512xi32>
      tpu.vector_store %arg9[%swap3A_891, %swap3A_892], %add3A_890 {strides = array<i32>} : memref<4x512xi32, #tpu.memory_space<vmem>>, vector<1x512xi32>,
      %swap3A_894 = arith.constant 3 : index
      %swap3A_895 = arith.constant 0 : index
      %swap3A_896 = vector.load %arg10[%swap3A_894, %swap3A_895] : memref<4x512xf32, #tpu.memory_space<vmem>>, vector<1x512xf32>
      tpu.vector_store %arg10[%swap3A_894, %swap3A_895], %transpose3A_881 {strides = array<i32>} : memref<4x512xf32, #tpu.memory_space<vmem>>, vector<1x512xf32>,
    } else {
    }
    return
  }
  func.func @transform_0(%arg0: i32) -> (i32, i32) {
    %c0_i32 = arith.constant 0 : i32
    %c0_i32_0 = arith.constant 0 : i32
    return %arg0, %c0_i32 : i32, i32
  }
  func.func @transform_1(%arg0: i32) -> (i32, i32) {
    %c0_i32 = arith.constant 0 : i32
    %c0_i32_0 = arith.constant 0 : i32
    %c0_i32_1 = arith.constant 0 : i32
    return %c0_i32, %c0_i32_0 : i32, i32
  }
  func.func @transform_2(%arg0: i32) -> (i32, i32) {
    %c0_i32 = arith.constant 0 : i32
    %c0_i32_0 = arith.constant 0 : i32
    %c0_i32_1 = arith.constant 0 : i32
    return %c0_i32, %c0_i32_0 : i32, i32
  }
  func.func @transform_3(%arg0: i32) -> (i32, i32) {
    %c0_i32 = arith.constant 0 : i32
    %c0_i32_0 = arith.constant 0 : i32
    %c0_i32_1 = arith.constant 0 : i32
    return %c0_i32, %c0_i32_0 : i32, i32
  }
  func.func @transform_4(%arg0: i32) -> (i32, i32) {
    %c0_i32 = arith.constant 0 : i32
    %c0_i32_0 = arith.constant 0 : i32
    %c0_i32_1 = arith.constant 0 : i32
    return %c0_i32, %c0_i32_0 : i32, i32
  }
  func.func @transform_5(%arg0: i32) -> (i32, i32) {
    %c0_i32 = arith.constant 0 : i32
    %c0_i32_0 = arith.constant 0 : i32
    %c0_i32_1 = arith.constant 0 : i32
    return %c0_i32, %c0_i32_0 : i32, i32
  }
  func.func @transform_6(%arg0: i32) -> (i32, i32) {
    %c0_i32 = arith.constant 0 : i32
    %c0_i32_0 = arith.constant 0 : i32
    %c0_i32_1 = arith.constant 0 : i32
    return %c0_i32, %c0_i32_0 : i32, i32
  }
  func.func @transform_7(%arg0: i32) -> (i32, i32) {
    %c0_i32 = arith.constant 0 : i32
    %c0_i32_0 = arith.constant 0 : i32
    %c0_i32_1 = arith.constant 0 : i32
    return %c0_i32, %c0_i32_0 : i32, i32
  }
  func.func @transform_8(%arg0: i32) -> (i32, i32) {
    %c0_i32 = arith.constant 0 : i32
    %c0_i32_0 = arith.constant 0 : i32
    %c0_i32_1 = arith.constant 0 : i32
    return %c0_i32, %c0_i32_0 : i32, i32
  }
  func.func @transform_9(%arg0: i32) -> (i32, i32) {
    %c0_i32 = arith.constant 0 : i32
    %c0_i32_0 = arith.constant 0 : i32
    %c0_i32_1 = arith.constant 0 : i32
    return %c0_i32, %c0_i32_0 : i32, i32
  }
}

</mosaic_0001>

<sc_bundles>
// kernel: kernel.4.cloned.1.call-start
scs
__scs_entry_jumppad:
0x0: {  	(pc) =	sbr.rel $0x88, $3  }
0x1: {  	(tag) =	ssettag $0x0;
	lr =	simm.s32 $0x1  }
0x2: {  	[smem:$0x3F9A] =	sst lr;
	_ =	strace $0xD0000000  }
0x3: {  	_ = 	snop  }
0x4: {  	_ = 	snop  }
0x5: {  	_ = 	snop  }
0x6: {  	_ = 	snop  }
0x7: {  	_ = 	snop  }
__scs_overlays_trampoline_lowered:
0x8: {  	[smem:$0x3FA9] =	sst s0  }
0x9: {  	[smem:$0x3FAA] =	sst s1  }
0xa: {  	[smem:$0x3FAB] =	sst s2  }
0xb: {  	[smem:$0x3FAC] =	sst s3  }
0xc: {  	[smem:$0x3FAD] =	sst s4  }
0xd: {  	[smem:$0x3FAE] =	sst s5  }
0xe: {  	[smem:$0x3FAF] =	sst s6  }
0xf: {  	[smem:$0x3FB0] =	sst s7  }
0x10: {  	[smem:$0x3FB1] =	sst s8  }
0x11: {  	[smem:$0x3FB2] =	sst s9;
	s0 =	simm.s32 @!p0 $0x0  }
0x12: {  	s1 =	sld [smem:$0x3F98];
	s0 =	simm.s32 @p0 $0x1  }
0x13: {  	[smem:$0x3FB3] =	sst s0;
	s0 =	simm.s32 @!p1 $0x0  }
0x14: {  	s2 =	sld [smem:$0x3F97];
	s0 =	simm.s32 @p1 $0x1  }
0x15: {  	[smem:$0x3FB4] =	sst s0;
	s0 =	simm.s32 @!p2 $0x0  }
0x16: {  	s3 =	sld [smem:$0x3FDB];
	s0 =	simm.s32 @p2 $0x1  }
0x17: {  	s4 =	simm.s32 $0x1BF5;
	[smem:$0x3FB6] =	sst s0  }
0x18: {  	s0 =	sld [smem:$0x3F99];
	_ =	swait.ge [sflag:s4], $0x0  }
0x19: {  	s7 =	sld [smem:$0x3F9A]  }
0x1a: {  	s8 =	sadd.s32 $0xFFFFE003, lr  }
0x1b: {  	s9 =	sadd.s32 $0xFFFFFEF7, lr;
	s5 =	simm.s32 $0xFFFFFFFF;
	p2 =	slt.u32 s8, $0xFFFFF086  }
0x1c: {  	p1 =	slt.u32 s9, $0xF7A;
	s5 =	simm.s32 @!p2 $0x0  }
0x1d: {  	s5 =	simm.s32 @p1 $0x1;
	p0 =	seq.s32 s7, s2  }
0x1e: {  	s7 =	smul.u32 @!p0 $0xF7A, s2;
	p2 =	seq.s32 @!p0 s5, $0x0  }
0x1f: {  	s9 =	smul.u32 $0xF7A, s1;
	s8 =	simm.s32 @!p0 $0x1BF5;
	p2 =	por !p2, p0  }
0x20: {  	[sflag:s8] =	ssyncset.s32 @!p0 $0xFFFFF086;
	s6 =	sadd.s32 @!p0 s3, s7;
	s7 =	simm.s32 @!p0 $0x108  }
0x21: {  	s3 =	sadd.s32 s3, s9;
	s6 =	sadd.s32 @!p0 $0x88, s6;
	s7 =	simm.s32 @p2 $0x1082  }
0x22: {  	[simem:s7], [sflag:s8] =	dma.local @!p0 [hbm:s6], $0xF7A  }
0x23: {  	s9 =	sor.u32 $0xD0000000, s2;
	s6 =	simm.s32 $0x108;
	_ =	swait.ge @!p0 [sflag:s8], $0x0  }
0x24: {  	s3 =	sadd.s32 $0x88, s3;
	s6 =	simm.s32 @!p1 $0x1082;
	[sflag:s4] =	ssyncset.s32 $0xFFFFF086  }
0x25: {  	[simem:s6], [sflag:s4] =	dma.local [hbm:s3], $0xF7A  }
0x26: {  	[smem:$0x3F9A] =	sst s1;
	(tag) =	ssettag s2;
	_ =	strace s9  }
0x27: {  	s1 =	sld [smem:$0x3FAA]  }
0x28: {  	s2 =	sld [smem:$0x3FAB]  }
0x29: {  	s4 =	sld [smem:$0x3FAD]  }
0x2a: {  	p0 =	seq.s32 s5, $0x0;
	s5 =	sld [smem:$0x3FAE]  }
0x2b: {  	s6 =	sld [smem:$0x3FAF]  }
0x2c: {  	s7 =	sld [smem:$0x3FB0]  }
0x2d: {  	s3 =	simm.s32 $0x108;
	s8 =	sld [smem:$0x3FB1]  }
0x2e: {  	s3 =	simm.s32 @!p0 $0x1082;
	s9 =	sld [smem:$0x3FB2]  }
0x2f: {  	lr =	sadd.s32 s0, s3;
	s0 =	sld [smem:$0x3FA9]  }
0x30: {  	s3 =	sld [smem:$0x3FAC]  }
0x31: {  	[smem:$0x3FB5] =	sst s10  }
0x32: {  	s10 =	sld [smem:$0x3FB3];
	_ =	sdelay $0x3  }
0x33: {  	p0 =	seq.s32 s10, $0x1;
	s10 =	sld [smem:$0x3FB5];
	_ =	sdelay $0x3  }
0x34: {  	[smem:$0x3FB5] =	sst s10  }
0x35: {  	s10 =	sld [smem:$0x3FB4];
	_ =	sdelay $0x3  }
0x36: {  	p1 =	seq.s32 s10, $0x1;
	s10 =	sld [smem:$0x3FB5];
	_ =	sdelay $0x3  }
0x37: {  	[smem:$0x3FB5] =	sst s10  }
0x38: {  	s10 =	sld [smem:$0x3FB6]  }
0x39: {  	_ = 	snop;
	(pc) =	sbr.ind lr, $3  }
0x3a: {  	_ = 	snop  }
0x3b: {  	_ = 	snop  }
0x3c: {  	p2 =	seq.s32 s10, $0x1;
	s10 =	sld [smem:$0x3FB5]  }
0x3d: {  	_ =	shalt  }
0x3e: {  	_ =	shalt  }
0x3f: {  	_ =	shalt  }
0x40: {  	_ =	shalt  }
0x41: {  	_ =	shalt  }
0x42: {  	_ =	shalt  }
0x43: {  	_ =	shalt  }
0x44: {  	_ =	shalt  }
0x45: {  	_ =	shalt  }
0x46: {  	_ =	shalt  }
0x47: {  	_ =	shalt  }
0x48: {  	_ =	shalt  }
0x49: {  	_ =	shalt  }
0x4a: {  	_ =	shalt  }
0x4b: {  	_ =	shalt  }
0x4c: {  	_ =	shalt  }
0x4d: {  	_ =	shalt  }
0x4e: {  	_ =	shalt  }
0x4f: {  	_ =	shalt  }
0x50: {  	_ =	shalt  }
0x51: {  	_ =	shalt  }
0x52: {  	_ =	shalt  }
0x53: {  	_ =	shalt  }
0x54: {  	_ =	shalt  }
0x55: {  	_ =	shalt  }
0x56: {  	_ =	shalt  }
0x57: {  	_ =	shalt  }
0x58: {  	_ =	shalt  }
0x59: {  	_ =	shalt  }
0x5a: {  	_ =	shalt  }
0x5b: {  	_ =	shalt  }
0x5c: {  	_ =	shalt  }
0x5d: {  	_ =	shalt  }
0x5e: {  	_ =	shalt  }
0x5f: {  	_ =	shalt  }
0x60: {  	_ =	shalt  }
0x61: {  	_ =	shalt  }
0x62: {  	_ =	shalt  }
0x63: {  	_ =	shalt  }
0x64: {  	_ =	shalt  }
0x65: {  	_ =	shalt  }
0x66: {  	_ =	shalt  }
0x67: {  	_ =	shalt  }
0x68: {  	_ =	shalt  }
0x69: {  	_ =	shalt  }
0x6a: {  	_ =	shalt  }
0x6b: {  	_ =	shalt  }
0x6c: {  	_ =	shalt  }
0x6d: {  	_ =	shalt  }
0x6e: {  	_ =	shalt  }
0x6f: {  	_ =	shalt  }
0x70: {  	_ =	shalt  }
0x71: {  	_ =	shalt  }
0x72: {  	_ =	shalt  }
0x73: {  	_ =	shalt  }
0x74: {  	_ =	shalt  }
0x75: {  	_ =	shalt  }
0x76: {  	_ =	shalt  }
0x77: {  	_ =	shalt  }
0x78: {  	_ =	shalt  }
0x79: {  	_ =	shalt  }
0x7a: {  	_ =	shalt  }
0x7b: {  	_ =	shalt  }
0x7c: {  	_ =	shalt  }
0x7d: {  	_ =	shalt  }
0x7e: {  	_ =	shalt  }
0x7f: {  	_ =	shalt  }
0x80: {  	_ =	shalt  }
0x81: {  	_ =	shalt  }
0x82: {  	_ =	shalt  }
0x83: {  	_ =	shalt  }
0x84: {  	_ =	shalt  }
0x85: {  	_ =	shalt  }
0x86: {  	_ =	shalt  }
0x87: {  	_ =	shalt  }
.Lfunc_end0:
.L_simem_size_0:
called_computation_lowered:
.L_overlay_start_0:
0x88: {  	s2 =	sld [smem:$0x3FD9]  }
0x89: {  	s3 =	sld [smem:$0x3FFE];
	_ =	sdelay $0x1  }
0x8a: {  	s1 =	srdreg.scid  }
0x8b: {  	s0 =	sand.u32 $0x1, s1  }
0x8c: {  	s14 =	sshll.u32 s0, $0xA;
	s2 =	sadd.s32 s3, s2  }
0x8d: {  	s2 =	sadd.s32 s2, s14  }
0x8e: {  	[smem:$0x3FC1] =	sst s2  }
0x8f: {  	_ = 	snop  }
0x90: {  	s2 =	sld [smem:$0x3FD0];
	_ =	sdelay $0x2  }
0x91: {  	s4 =	simm.s32 $0xA;
	s5 =	simm.s32 $0x10;
	s15 =	sld [smem:$0x3FC9]  }
0x92: {  	[smem:s5], [sflag:s4] =	dma.local [hbm:s2], $0x1  }
0x93: {  	_ =	swait.eq [sflag:s4], $0x1  }
0x94: {  	[sflag:s4] =	ssyncset.done $0x0  }
0x95: {  	[sflag:s4] =	ssyncadd.s32 $0xFFFFFFFF  }
0x96: {  	s16 =	sld [smem:$0x10];
	(tm) =	ssettm $0x1  }
0x97: {  	s17 =	sld [smem:$0x3FFB];
	_ =	sdelay $0x3  }
0x98: {  	_ =	strace s17  }
0x99: {  	s4 =	sld [smem:$0x3FFC];
	_ =	sdelay $0x3  }
0x9a: {  	_ =	strace s4  }
0x9b: {  	s4 =	sld [smem:$0x3FFD];
	_ =	sdelay $0x3  }
0x9c: {  	_ =	strace s4  }
0x9d: {  	_ =	strace $0x8FFFFFFF  }
0x9e: {  	s18 =	sld [smem:$0x3FDB];
	_ =	sdelay $0x1  }
0x9f: {  	s19 =	simm.s32 $_scs_section_size  }
0xa0: {  	s6 =	simm.s32 $_size__tile_overlayer_lowered;
	s7 =	simm.s32 $_tile_overlayer_lowered  }
0xa1: {  	s22 =	simm.s32 $0x1BFF;
	s21 =	sshll.u32 s7, $0x1;
	s4 =	sadd.s32 s19, s18  }
0xa2: {  	s8 =	simm.s32 $0x0;
	s20 =	sshll.u32 s6, $0x1;
	s6 =	sadd.s32 s21, s4  }
0xa3: {  	[timem:s8], [sflag:s22] =	dma.local [hbm:s6], s20  }
0xa4: {  	_ =	swait.ge [sflag:s22], s20  }
0xa5: {  	s5 =	ssub.s32 $0x0, s20;
	[sflag:s22] =	ssyncset.done $0x0  }
0xa6: {  	[sflag:s22] =	ssyncadd.s32 s5;
	_ =	sdelay $0x1  }
0xa7: {  	s23 =	simm.s32 $0x1B8B  }
0xa8: {  	_ =	swait.ge [sflag:s23], $0x1  }
0xa9: {  	[sflag:s23] =	ssyncset.done $0x0  }
0xaa: {  	s25 =	simm.s32 $0x1B8E;
	s24 =	sld [smem:$0x3FFE];
	[sflag:s23] =	ssyncadd.s32 $0xFFFFFFFF  }
0xab: {  	s26 =	simm.s32 $execute0_lowered;
	[smem:$0x3FD2] =	sst s25  }
0xac: {  	s6 =	sshll.u32 s26, $0x1;
	_ =	strace $0x80000046;
	[dreg:$0x1] =	wrdreg $0xFFFFFFFF  }
0xad: {  	s28 =	simm.s32 $_size_execute0_lowered;
	s4 =	sadd.s32 s4, s6;
	[dreg:$0x0] =	wrdreg $0x0  }
0xae: {  	s6 =	sshll.u32 s28, $0x1;
	[dreg:$0x2] =	wrdreg s4  }
0xaf: {  	[dreg:$0x3] =	wrdreg s6  }
0xb0: {  	[dreg:$0x4] =	wrdreg $0xC0  }
0xb1: {  	_ =	task [dreg:s8], $0x5FFFF  }
0xb2: {  	[dreg:$0x1] =	wrdreg $0xFFFFFFFF  }
0xb3: {  	[dreg:$0x0] =	wrdreg $0x60  }
0xb4: {  	[dreg:$0x2] =	wrdreg s15  }
0xb5: {  	[dreg:$0x3] =	wrdreg s24  }
0xb6: {  	[dreg:$0x4] =	wrdreg s16  }
0xb7: {  	[dreg:$0x5] =	wrdreg $0x9  }
0xb8: {  	_ =	task.clear_ibuf [dreg:s8], $0x6FFFF;
	_ =	strace $0x90000046  }
0xb9: {  	s29 =	simm.s32 $0x9;
	_ =	strace $0x80000048  }
0xba: {  	_ =	swait.ge [sflag:s29], $0x1  }
0xbb: {  	[sflag:s29] =	ssyncadd.s32 $0xFFFFFFFF  }
0xbc: {  	_ =	strace $0x90000048  }
0xbd: {  	_ =	sfence  }
0xbe: {  	s30 =	sld [smem:$0x0];
	_ =	sdelay $0x2  }
0xbf: {  	s31 =	sshll.u32 s1, $0xD;
	s1 =	sshrl.u32 s1, $0x2  }
0xc0: {  	s3 =	sand.u32 $0x4000, s31;
	s1 =	sadd.s32 s1, s30  }
0xc1: {  	s0 =	sor.u32 s3, s0;
	s1 =	sshll.u32 s1, $0x11  }
0xc2: {  	s0 =	sor.u32 s1, s0  }
0xc3: {  	s0 =	sadd.s32 $0x8F2B, s0  }
0xc4: {  	[sflag:s0] =	ssyncadd.remote.s32 $0x1  }
0xc5: {  	_ =	sfence.sel $0xFFFF  }
0xc6: {  	[dreg:$0x0] =	wrdreg $0xFFFFFFFF;
	(pc) =	sbr.abs _section_cstart, $3  }
0xc7: {  	[dreg:$0x1] =	wrdreg $0xFFFFFFFF  }
0xc8: {  	_ =	task.clear_ibuf [dreg:s8], $0x2FFFF;
	_ =	strace $0x9FFFFFFF  }
0xc9: {  	(tm) =	ssettm $0x7FFFFFFF  }
tec
execute0_lowered:
.L_overlay_start_1:
0x0: {  	(tag) =	ssettag $0x1  }
0x1: {  	s14 =	rddreg [dreg:$0x0];
	s0 =	srdreg.scid  }
0x2: {  	s2 =	rddreg [dreg:$0x1];
	s3 =	stileid.u32  }
0x3: {  	s5 =	rddreg [dreg:$0x2];
	s13 =	simm.s32 $0x3;
	s28 =	simm.s32 $0x1  }
0x4: {  	s29 =	simm.s32 $0x2;
	s31 =	simm.s32 $0x80;
	s15 =	simm.s32 $0x1880  }
0x5: {  	s16 =	simm.s32 $0x2080;
	s17 =	simm.s32 $0x2880;
	s18 =	simm.s32 $0x3080  }
0x6: {  	s19 =	simm.s32 $0x3880;
	s20 =	simm.s32 $0x4080;
	s21 =	simm.s32 $0x5080  }
0x7: {  	s22 =	simm.s32 $0x5880;
	s1 =	simm.s32 $0x8080;
	s0 =	sand.u32 $0x1, s0  }
0x8: {  	s4 =	sshll.u32 s3, $0x7;
	s3 =	simm.s32 $0x0;
	s7 =	sadd.s32 $0x300, s14  }
0x9: {  	s8 =	sadd.s32 $0x400, s14;
	s9 =	sadd.s32 $0x500, s14;
	s10 =	sadd.s32 $0x600, s14  }
0xa: {  	s11 =	sadd.s32 $0x700, s14;
	s6 =	sshll.u32 s0, $0x6;
	[smem:$0x7FF] =	sst s3  }
0xb: {  	s0 =	ssub.s32 $0x2, s0;
	s4 =	sor.u32 s6, s4;
	_ =	strace $0x80000047  }
0xc: {  	s23 =	sshrl.u32 s0, $0x1;
	s6 =	sshrl.u32 s4, $0x3;
	s24 =	sshll.u32 s4, $0x8  }
0xd: {  	s0 =	ssub.s32 s0, s23;
	s2 =	sadd.s32 s6, s2;
	s5 =	sadd.s32 s5, s24  }
0xe: {  	s4 =	sadd.s32 $0x100, s14;
	s2 =	sadd.s32 $0xA00, s2;
	[dreg:$0x8] =	wrdreg s5  }
0xf: {  	s23 =	simm.s32 $0x6080;
	s25 =	sadd.s32 $0x1000, s5;
	[dreg:$0x4] =	wrdreg s2  }
0x10: {  	s6 =	sadd.s32 $0x200, s14;
	s26 =	sadd.s32 $0x2000, s5;
	[dreg:$0x5] =	wrdreg s25  }
0x11: {  	v2 =	vlaneseq.u32;
	s12 =	smax.u32 s0, $0x1;
	s30 =	sadd.s32 $0x3000, s5;
	[dreg:$0x6] =	wrdreg s26  }
0x12: {  	vm0 =	vmmov $0xffff;
	v1 =	vshrl.u32 v2, $0x3;
	s24 =	simm.s32 $0x6880;
	s5 =	simm.s32 $0x4880;
	[dreg:$0x7] =	wrdreg s30  }
0x13: {  	v0 =	vand.u32 $0x7, v2;
	v2 =	vor.u32 $0x8, v2;
	v1 =	vmul.u32 $0x8, v1;
	s2 =	simm.s32 $0x880;
	s25 =	simm.s32 $0x7080;
	s26 =	simm.s32 $0x7880  }
.LBB2_1:
0x14: {  	s30 =	rddreg [dreg:$0x4]  }
0x15: {  	[tilespmem:s3], [sflag:$0x3] =	stream.linear.gather [hbm4b:s30+s3], $0x40, $0x38;
	[tilespmem:$0x10080] =	vst v63  }
0x16: {  	_ =	swait.ge [sflag:s13], $0x40  }
0x17: {  	[sflag:s13] =	ssyncset.done $0x0  }
0x18: {  	[sflag:s13] =	ssyncadd.s32 $0xFFFFFFC0  }
0x19: {  	v3 =	vld [tilespmem:$0x0];
	_ =	sdelay $0x4  }
0x1a: {  	v4 =	vshll.u32 v3, $0x4  }
0x1b: {  	v3 =	vand.u32 $0x7, v3;
	v4 =	vand.u32 $0xFFFFFF80, v4  }
0x1c: {  	v3 =	vor.u32 v3, v4  }
0x1d: {  	v4 =	vperm.xlane v3, v0;
	_ =	sdelay $0x1  }
0x1e: {  	v4 =	vadd.s32 v1, v4;
	_ =	sdelay $0x4  }
0x1f: {  	[tilespmem:s31], [sflag:$0x1] =	stream.indirect_vreg.gather [hbm4b:s14+s3], $0x80, v4, vm0, $0xb8;
	[tilespmem:$0x10080] =	vst v63  }
0x20: {  	_ = 	snop  }
0x21: {  	[tilespmem:s2], [sflag:$0x1] =	stream.indirect_vreg.gather [hbm4b:s4+s3], $0x80, v4, vm0, $0xb8;
	[tilespmem:$0x10080] =	vst v63  }
0x22: {  	s0 =	simm.s32 $0x1080  }
0x23: {  	[tilespmem:s0], [sflag:$0x1] =	stream.indirect_vreg.gather [hbm4b:s6+s3], $0x80, v4, vm0, $0xb8;
	[tilespmem:$0x10080] =	vst v63  }
0x24: {  	_ = 	snop  }
0x25: {  	[tilespmem:s15], [sflag:$0x1] =	stream.indirect_vreg.gather [hbm4b:s7+s3], $0x80, v4, vm0, $0xb8;
	[tilespmem:$0x10080] =	vst v63  }
0x26: {  	_ = 	snop  }
0x27: {  	[tilespmem:s16], [sflag:$0x1] =	stream.indirect_vreg.gather [hbm4b:s8+s3], $0x80, v4, vm0, $0xb8;
	[tilespmem:$0x10080] =	vst v63  }
0x28: {  	v3 =	vperm.xlane v3, v2  }
0x29: {  	[tilespmem:s17], [sflag:$0x1] =	stream.indirect_vreg.gather [hbm4b:s9+s3], $0x80, v4, vm0, $0xb8;
	[tilespmem:$0x10080] =	vst v63  }
0x2a: {  	v3 =	vadd.s32 v1, v3  }
0x2b: {  	[tilespmem:s18], [sflag:$0x1] =	stream.indirect_vreg.gather [hbm4b:s10+s3], $0x80, v4, vm0, $0xb8;
	[tilespmem:$0x10080] =	vst v63  }
0x2c: {  	_ = 	snop  }
0x2d: {  	[tilespmem:s19], [sflag:$0x1] =	stream.indirect_vreg.gather [hbm4b:s11+s3], $0x80, v4, vm0, $0xb8;
	[tilespmem:$0x10080] =	vst v63  }
0x2e: {  	_ = 	snop  }
0x2f: {  	[tilespmem:s20], [sflag:$0x1] =	stream.indirect_vreg.gather [hbm4b:s14+s3], $0x80, v3, vm0, $0xb8;
	[tilespmem:$0x10080] =	vst v63  }
0x30: {  	_ = 	snop  }
0x31: {  	[tilespmem:s5], [sflag:$0x1] =	stream.indirect_vreg.gather [hbm4b:s4+s3], $0x80, v3, vm0, $0xb8;
	[tilespmem:$0x10080] =	vst v63  }
0x32: {  	_ = 	snop  }
0x33: {  	[tilespmem:s21], [sflag:$0x1] =	stream.indirect_vreg.gather [hbm4b:s6+s3], $0x80, v3, vm0, $0xb8;
	[tilespmem:$0x10080] =	vst v63  }
0x34: {  	_ = 	snop  }
0x35: {  	[tilespmem:s22], [sflag:$0x1] =	stream.indirect_vreg.gather [hbm4b:s7+s3], $0x80, v3, vm0, $0xb8;
	[tilespmem:$0x10080] =	vst v63  }
0x36: {  	_ = 	snop  }
0x37: {  	[tilespmem:s23], [sflag:$0x1] =	stream.indirect_vreg.gather [hbm4b:s8+s3], $0x80, v3, vm0, $0xb8;
	[tilespmem:$0x10080] =	vst v63  }
0x38: {  	_ = 	snop  }
0x39: {  	[tilespmem:s24], [sflag:$0x1] =	stream.indirect_vreg.gather [hbm4b:s9+s3], $0x80, v3, vm0, $0xb8;
	[tilespmem:$0x10080] =	vst v63  }
0x3a: {  	_ = 	snop  }
0x3b: {  	[tilespmem:s25], [sflag:$0x1] =	stream.indirect_vreg.gather [hbm4b:s10+s3], $0x80, v3, vm0, $0xb8;
	[tilespmem:$0x10080] =	vst v63  }
0x3c: {  	_ = 	snop  }
0x3d: {  	[tilespmem:s26], [sflag:$0x1] =	stream.indirect_vreg.gather [hbm4b:s11+s3], $0x80, v3, vm0, $0xb8;
	[tilespmem:$0x10080] =	vst v63  }
0x3e: {  	v3 =	vld [tilespmem:$0x10];
	_ =	sdelay $0x4  }
0x3f: {  	v61 =	vshll.u32 v3, $0x4  }
0x40: {  	v3 =	vand.u32 $0x7, v3;
	v4 =	vand.u32 $0xFFFFFF80, v61  }
0x41: {  	v3 =	vor.u32 v3, v4  }
0x42: {  	v4 =	vperm.xlane v3, v0;
	_ =	sdelay $0x1  }
0x43: {  	v4 =	vadd.s32 v1, v4;
	_ =	sdelay $0x4  }
0x44: {  	[tilespmem:s1], [sflag:$0x2] =	stream.indirect_vreg.gather [hbm4b:s14+s3], $0x80, v4, vm0, $0xb8;
	[tilespmem:$0x10080] =	vst v63  }
0x45: {  	s30 =	simm.s32 $0x8880  }
0x46: {  	[tilespmem:s30], [sflag:$0x2] =	stream.indirect_vreg.gather [hbm4b:s4+s3], $0x80, v4, vm0, $0xb8;
	[tilespmem:$0x10080] =	vst v63  }
0x47: {  	s30 =	simm.s32 $0x9080  }
0x48: {  	[tilespmem:s30], [sflag:$0x2] =	stream.indirect_vreg.gather [hbm4b:s6+s3], $0x80, v4, vm0, $0xb8;
	[tilespmem:$0x10080] =	vst v63  }
0x49: {  	s30 =	simm.s32 $0x9880  }
0x4a: {  	[tilespmem:s30], [sflag:$0x2] =	stream.indirect_vreg.gather [hbm4b:s7+s3], $0x80, v4, vm0, $0xb8;
	[tilespmem:$0x10080] =	vst v63  }
0x4b: {  	s30 =	simm.s32 $0xA080  }
0x4c: {  	[tilespmem:s30], [sflag:$0x2] =	stream.indirect_vreg.gather [hbm4b:s8+s3], $0x80, v4, vm0, $0xb8;
	[tilespmem:$0x10080] =	vst v63  }
0x4d: {  	v3 =	vperm.xlane v3, v2;
	s30 =	simm.s32 $0xA880  }
0x4e: {  	[tilespmem:s30], [sflag:$0x2] =	stream.indirect_vreg.gather [hbm4b:s9+s3], $0x80, v4, vm0, $0xb8;
	[tilespmem:$0x10080] =	vst v63  }
0x4f: {  	v3 =	vadd.s32 v1, v3;
	s30 =	simm.s32 $0xB080  }
0x50: {  	[tilespmem:s30], [sflag:$0x2] =	stream.indirect_vreg.gather [hbm4b:s10+s3], $0x80, v4, vm0, $0xb8;
	[tilespmem:$0x10080] =	vst v63  }
0x51: {  	s30 =	simm.s32 $0xB880  }
0x52: {  	[tilespmem:s30], [sflag:$0x2] =	stream.indirect_vreg.gather [hbm4b:s11+s3], $0x80, v4, vm0, $0xb8;
	[tilespmem:$0x10080] =	vst v63  }
0x53: {  	s30 =	simm.s32 $0xC080  }
0x54: {  	[tilespmem:s30], [sflag:$0x2] =	stream.indirect_vreg.gather [hbm4b:s14+s3], $0x80, v3, vm0, $0xb8;
	[tilespmem:$0x10080] =	vst v63  }
0x55: {  	s30 =	simm.s32 $0xC880  }
0x56: {  	[tilespmem:s30], [sflag:$0x2] =	stream.indirect_vreg.gather [hbm4b:s4+s3], $0x80, v3, vm0, $0xb8;
	[tilespmem:$0x10080] =	vst v63  }
0x57: {  	s30 =	simm.s32 $0xD080  }
0x58: {  	[tilespmem:s30], [sflag:$0x2] =	stream.indirect_vreg.gather [hbm4b:s6+s3], $0x80, v3, vm0, $0xb8;
	[tilespmem:$0x10080] =	vst v63  }
0x59: {  	s30 =	simm.s32 $0xD880  }
0x5a: {  	[tilespmem:s30], [sflag:$0x2] =	stream.indirect_vreg.gather [hbm4b:s7+s3], $0x80, v3, vm0, $0xb8;
	[tilespmem:$0x10080] =	vst v63  }
0x5b: {  	s30 =	simm.s32 $0xE080  }
0x5c: {  	[tilespmem:s30], [sflag:$0x2] =	stream.indirect_vreg.gather [hbm4b:s8+s3], $0x80, v3, vm0, $0xb8;
	[tilespmem:$0x10080] =	vst v63  }
0x5d: {  	s30 =	simm.s32 $0xE880  }
0x5e: {  	[tilespmem:s30], [sflag:$0x2] =	stream.indirect_vreg.gather [hbm4b:s9+s3], $0x80, v3, vm0, $0xb8;
	[tilespmem:$0x10080] =	vst v63  }
0x5f: {  	s30 =	simm.s32 $0xF080  }
0x60: {  	[tilespmem:s30], [sflag:$0x2] =	stream.indirect_vreg.gather [hbm4b:s10+s3], $0x80, v3, vm0, $0xb8;
	[tilespmem:$0x10080] =	vst v63  }
0x61: {  	s30 =	simm.s32 $0xF880  }
0x62: {  	[tilespmem:s30], [sflag:$0x2] =	stream.indirect_vreg.gather [hbm4b:s11+s3], $0x80, v3, vm0, $0xb8;
	[tilespmem:$0x10080] =	vst v63  }
0x63: {  	_ =	swait.ge [sflag:s28], $0x8000  }
0x64: {  	[sflag:s28] =	ssyncset.done $0x0  }
0x65: {  	s30 =	rddreg [dreg:$0x8];
	[sflag:s28] =	ssyncadd.s32 $0xFFFF8000  }
0x66: {  	[hbm4b:s30+s3] =	stream.linear.scatter [tilespmem:s31], [sflag:$0x3], $0x8000, $0x38;
	[tilespmem:$0x10080] =	vst v63  }
0x67: {  	_ =	swait.ge [sflag:s13], $0x8000  }
0x68: {  	[sflag:s13] =	ssyncset.done $0x0  }
0x69: {  	[sflag:s13] =	ssyncadd.s32 $0xFFFF8000  }
0x6a: {  	v3 =	vld [tilespmem:$0x20];
	_ =	sdelay $0x4  }
0x6b: {  	v62 =	vshll.u32 v3, $0x4  }
0x6c: {  	v3 =	vand.u32 $0x7, v3;
	v4 =	vand.u32 $0xFFFFFF80, v62  }
0x6d: {  	v3 =	vor.u32 v3, v4  }
0x6e: {  	v4 =	vperm.xlane v3, v0;
	_ =	sdelay $0x1  }
0x6f: {  	v4 =	vadd.s32 v1, v4;
	_ =	sdelay $0x4  }
0x70: {  	[tilespmem:s31], [sflag:$0x1] =	stream.indirect_vreg.gather [hbm4b:s14+s3], $0x80, v4, vm0, $0xb8;
	[tilespmem:$0x10080] =	vst v63  }
0x71: {  	_ = 	snop  }
0x72: {  	[tilespmem:s2], [sflag:$0x1] =	stream.indirect_vreg.gather [hbm4b:s4+s3], $0x80, v4, vm0, $0xb8;
	[tilespmem:$0x10080] =	vst v63  }
0x73: {  	_ = 	snop  }
0x74: {  	[tilespmem:s0], [sflag:$0x1] =	stream.indirect_vreg.gather [hbm4b:s6+s3], $0x80, v4, vm0, $0xb8;
	[tilespmem:$0x10080] =	vst v63  }
0x75: {  	_ = 	snop  }
0x76: {  	[tilespmem:s15], [sflag:$0x1] =	stream.indirect_vreg.gather [hbm4b:s7+s3], $0x80, v4, vm0, $0xb8;
	[tilespmem:$0x10080] =	vst v63  }
0x77: {  	_ = 	snop  }
0x78: {  	[tilespmem:s16], [sflag:$0x1] =	stream.indirect_vreg.gather [hbm4b:s8+s3], $0x80, v4, vm0, $0xb8;
	[tilespmem:$0x10080] =	vst v63  }
0x79: {  	v3 =	vperm.xlane v3, v2  }
0x7a: {  	[tilespmem:s17], [sflag:$0x1] =	stream.indirect_vreg.gather [hbm4b:s9+s3], $0x80, v4, vm0, $0xb8;
	[tilespmem:$0x10080] =	vst v63  }
0x7b: {  	v3 =	vadd.s32 v1, v3  }
0x7c: {  	[tilespmem:s18], [sflag:$0x1] =	stream.indirect_vreg.gather [hbm4b:s10+s3], $0x80, v4, vm0, $0xb8;
	[tilespmem:$0x10080] =	vst v63  }
0x7d: {  	_ = 	snop  }
0x7e: {  	[tilespmem:s19], [sflag:$0x1] =	stream.indirect_vreg.gather [hbm4b:s11+s3], $0x80, v4, vm0, $0xb8;
	[tilespmem:$0x10080] =	vst v63  }
0x7f: {  	_ = 	snop  }
0x80: {  	[tilespmem:s20], [sflag:$0x1] =	stream.indirect_vreg.gather [hbm4b:s14+s3], $0x80, v3, vm0, $0xb8;
	[tilespmem:$0x10080] =	vst v63  }
0x81: {  	_ = 	snop  }
0x82: {  	[tilespmem:s5], [sflag:$0x1] =	stream.indirect_vreg.gather [hbm4b:s4+s3], $0x80, v3, vm0, $0xb8;
	[tilespmem:$0x10080] =	vst v63  }
0x83: {  	_ = 	snop  }
0x84: {  	[tilespmem:s21], [sflag:$0x1] =	stream.indirect_vreg.gather [hbm4b:s6+s3], $0x80, v3, vm0, $0xb8;
	[tilespmem:$0x10080] =	vst v63  }
0x85: {  	_ = 	snop  }
0x86: {  	[tilespmem:s22], [sflag:$0x1] =	stream.indirect_vreg.gather [hbm4b:s7+s3], $0x80, v3, vm0, $0xb8;
	[tilespmem:$0x10080] =	vst v63  }
0x87: {  	_ = 	snop  }
0x88: {  	[tilespmem:s23], [sflag:$0x1] =	stream.indirect_vreg.gather [hbm4b:s8+s3], $0x80, v3, vm0, $0xb8;
	[tilespmem:$0x10080] =	vst v63  }
0x89: {  	_ = 	snop  }
0x8a: {  	[tilespmem:s24], [sflag:$0x1] =	stream.indirect_vreg.gather [hbm4b:s9+s3], $0x80, v3, vm0, $0xb8;
	[tilespmem:$0x10080] =	vst v63  }
0x8b: {  	_ = 	snop  }
0x8c: {  	[tilespmem:s25], [sflag:$0x1] =	stream.indirect_vreg.gather [hbm4b:s10+s3], $0x80, v3, vm0, $0xb8;
	[tilespmem:$0x10080] =	vst v63  }
0x8d: {  	_ = 	snop  }
0x8e: {  	[tilespmem:s26], [sflag:$0x1] =	stream.indirect_vreg.gather [hbm4b:s11+s3], $0x80, v3, vm0, $0xb8;
	[tilespmem:$0x10080] =	vst v63  }
0x8f: {  	_ =	swait.ge [sflag:s29], $0x8000  }
0x90: {  	[sflag:s29] =	ssyncset.done $0x0  }
0x91: {  	s0 =	rddreg [dreg:$0x5];
	[sflag:s29] =	ssyncadd.s32 $0xFFFF8000  }
0x92: {  	[hbm4b:s0+s3] =	stream.linear.scatter [tilespmem:s1], [sflag:$0x3], $0x8000, $0x38;
	[tilespmem:$0x10080] =	vst v63  }
0x93: {  	_ =	swait.ge [sflag:s13], $0x8000  }
0x94: {  	[sflag:s13] =	ssyncset.done $0x0  }
0x95: {  	[sflag:s13] =	ssyncadd.s32 $0xFFFF8000  }
0x96: {  	v3 =	vld [tilespmem:$0x30];
	_ =	sdelay $0x4  }
0x97: {  	v63 =	vshll.u32 v3, $0x4  }
0x98: {  	v3 =	vand.u32 $0x7, v3;
	v4 =	vand.u32 $0xFFFFFF80, v63  }
0x99: {  	v3 =	vor.u32 v3, v4  }
0x9a: {  	v4 =	vperm.xlane v3, v0;
	_ =	sdelay $0x1  }
0x9b: {  	v4 =	vadd.s32 v1, v4;
	_ =	sdelay $0x4  }
0x9c: {  	[tilespmem:s1], [sflag:$0x2] =	stream.indirect_vreg.gather [hbm4b:s14+s3], $0x80, v4, vm0, $0xb8;
	[tilespmem:$0x10080] =	vst v63  }
0x9d: {  	s30 =	simm.s32 $0x8880  }
0x9e: {  	[tilespmem:s30], [sflag:$0x2] =	stream.indirect_vreg.gather [hbm4b:s4+s3], $0x80, v4, vm0, $0xb8;
	[tilespmem:$0x10080] =	vst v63  }
0x9f: {  	s30 =	simm.s32 $0x9080  }
0xa0: {  	[tilespmem:s30], [sflag:$0x2] =	stream.indirect_vreg.gather [hbm4b:s6+s3], $0x80, v4, vm0, $0xb8;
	[tilespmem:$0x10080] =	vst v63  }
0xa1: {  	s30 =	simm.s32 $0x9880  }
0xa2: {  	[tilespmem:s30], [sflag:$0x2] =	stream.indirect_vreg.gather [hbm4b:s7+s3], $0x80, v4, vm0, $0xb8;
	[tilespmem:$0x10080] =	vst v63  }
0xa3: {  	s30 =	simm.s32 $0xA080  }
0xa4: {  	[tilespmem:s30], [sflag:$0x2] =	stream.indirect_vreg.gather [hbm4b:s8+s3], $0x80, v4, vm0, $0xb8;
	[tilespmem:$0x10080] =	vst v63  }
0xa5: {  	v3 =	vperm.xlane v3, v2;
	s30 =	simm.s32 $0xA880  }
0xa6: {  	[tilespmem:s30], [sflag:$0x2] =	stream.indirect_vreg.gather [hbm4b:s9+s3], $0x80, v4, vm0, $0xb8;
	[tilespmem:$0x10080] =	vst v63  }
0xa7: {  	v3 =	vadd.s32 v1, v3;
	s30 =	simm.s32 $0xB080  }
0xa8: {  	[tilespmem:s30], [sflag:$0x2] =	stream.indirect_vreg.gather [hbm4b:s10+s3], $0x80, v4, vm0, $0xb8;
	[tilespmem:$0x10080] =	vst v63  }
0xa9: {  	s30 =	simm.s32 $0xB880  }
0xaa: {  	[tilespmem:s30], [sflag:$0x2] =	stream.indirect_vreg.gather [hbm4b:s11+s3], $0x80, v4, vm0, $0xb8;
	[tilespmem:$0x10080] =	vst v63  }
0xab: {  	s30 =	simm.s32 $0xC080  }
0xac: {  	[tilespmem:s30], [sflag:$0x2] =	stream.indirect_vreg.gather [hbm4b:s14+s3], $0x80, v3, vm0, $0xb8;
	[tilespmem:$0x10080] =	vst v63  }
0xad: {  	s30 =	simm.s32 $0xC880  }
0xae: {  	[tilespmem:s30], [sflag:$0x2] =	stream.indirect_vreg.gather [hbm4b:s4+s3], $0x80, v3, vm0, $0xb8;
	[tilespmem:$0x10080] =	vst v63  }
0xaf: {  	s30 =	simm.s32 $0xD080  }
0xb0: {  	[tilespmem:s30], [sflag:$0x2] =	stream.indirect_vreg.gather [hbm4b:s6+s3], $0x80, v3, vm0, $0xb8;
	[tilespmem:$0x10080] =	vst v63  }
0xb1: {  	s30 =	simm.s32 $0xD880  }
0xb2: {  	[tilespmem:s30], [sflag:$0x2] =	stream.indirect_vreg.gather [hbm4b:s7+s3], $0x80, v3, vm0, $0xb8;
	[tilespmem:$0x10080] =	vst v63  }
0xb3: {  	s30 =	simm.s32 $0xE080  }
0xb4: {  	[tilespmem:s30], [sflag:$0x2] =	stream.indirect_vreg.gather [hbm4b:s8+s3], $0x80, v3, vm0, $0xb8;
	[tilespmem:$0x10080] =	vst v63  }
0xb5: {  	s30 =	simm.s32 $0xE880  }
0xb6: {  	[tilespmem:s30], [sflag:$0x2] =	stream.indirect_vreg.gather [hbm4b:s9+s3], $0x80, v3, vm0, $0xb8;
	[tilespmem:$0x10080] =	vst v63  }
0xb7: {  	s30 =	simm.s32 $0xF080  }
0xb8: {  	[tilespmem:s30], [sflag:$0x2] =	stream.indirect_vreg.gather [hbm4b:s10+s3], $0x80, v3, vm0, $0xb8;
	[tilespmem:$0x10080] =	vst v63  }
0xb9: {  	s30 =	simm.s32 $0xF880  }
0xba: {  	[tilespmem:s30], [sflag:$0x2] =	stream.indirect_vreg.gather [hbm4b:s11+s3], $0x80, v3, vm0, $0xb8;
	[tilespmem:$0x10080] =	vst v63  }
0xbb: {  	_ =	swait.ge [sflag:s28], $0x8000  }
0xbc: {  	[sflag:s28] =	ssyncset.done $0x0  }
0xbd: {  	s0 =	rddreg [dreg:$0x6];
	[sflag:s28] =	ssyncadd.s32 $0xFFFF8000  }
0xbe: {  	[hbm4b:s0+s3] =	stream.linear.scatter [tilespmem:s31], [sflag:$0x3], $0x8000, $0x38;
	[tilespmem:$0x10080] =	vst v63  }
0xbf: {  	_ =	swait.ge [sflag:s13], $0x8000  }
0xc0: {  	[sflag:s13] =	ssyncset.done $0x0  }
0xc1: {  	[sflag:s13] =	ssyncadd.s32 $0xFFFF8000  }
0xc2: {  	_ =	swait.ge [sflag:s29], $0x8000  }
0xc3: {  	p0 =	sne.s32 s12, $0x1;
	[sflag:s29] =	ssyncset.done $0x0  }
.Ltmp0:
0xc4: {  	s0 =	rddreg [dreg:$0x7];
	[sflag:s29] =	ssyncadd.s32 $0xFFFF8000;
	(pc) =	sbr.rel @p0 .LBB2_1-.Ltmp0, $4  }
0xc5: {  	[hbm4b:s0+s3] =	stream.linear.scatter [tilespmem:s1], [sflag:$0x3], $0x8000, $0x38;
	[tilespmem:$0x10080] =	vst v63  }
0xc6: {  	_ =	swait.ge [sflag:s13], $0x8000  }
0xc7: {  	[sflag:s13] =	ssyncset.done $0x0  }
0xc8: {  	s12 =	sadd.s32 $0xFFFFFFFF, s12;
	[sflag:s13] =	ssyncadd.s32 $0xFFFF8000  }
0xc9: {  	_ =	sfence.sel $0x180000  }
0xca: {  	[bflag:$0x0] =	sbarrier.arrive $0xFFFF  }
0xcb: {  	_ =	strace $0x90000047  }
0xcc: {  	s0 =	stileid.u32;
	[bflag:$0x2] =	sbarrier.arrive $0xFFFF  }
0xcd: {  	p0 =	sne.s32 s0, $0x0;
	s0 =	rddreg [dreg:$0x3]  }
0xce: {  	s0 =	sadd.s32 @!p0 $0x100000, s0  }
0xcf: {  	[sflag:s0] =	ssyncadd.tile.s32 @!p0 $0x1;
	_ =	shalt  }
.Lfunc_end2:
_tile_overlayer_lowered:
.L_overlay_start_2:
0xd0: {  	(tag) =	ssettag $0x2  }
0xd1: {  	s0 =	rddreg [dreg:$0x0];
	s2 =	stileid.u32  }
0xd2: {  	s1 =	rddreg [dreg:$0x1];
	p0 =	sne.s32 s2, $0x0  }
0xd3: {  	s3 =	rddreg [dreg:$0x2];
	[bflag:$0x3] =	sbarrier.arrive $0xFFFF;
	s2 =	simm.s32 @!p0 $0x1C03  }
0xd4: {  	[timem:s3], [sflag:s2] =	dma.local @!p0 [hbm:s0], s1  }
0xd5: {  	s0 =	simm.s32 @!p0 $0x3  }
0xd6: {  	_ =	swait.ge @!p0 [sflag:s0], s1  }
0xd7: {  	s1 =	ssub.s32 @!p0 $0x0, s1;
	[sflag:s0] =	ssyncset.done @!p0 $0x0  }
0xd8: {  	[sflag:s0] =	ssyncadd.s32 @!p0 s1  }
0xd9: {  	[bflag:$0x3] =	sbarrier.arrive $0xFFFF  }
0xda: {  	_ =	shalt  }

</sc_bundles>
